<compile_context>
chip_gen: v7x
topology: tpu7x:2x2x1
jax: 0.10.2.dev20260603
libtpu: 0.0.44.dev20260713+nightly
codegen_flags: <defaults>
</compile_context>

<pallas_src>
import jax
import jax.numpy as jnp
from jax import lax
from jax.experimental import pallas as pl
from jax.experimental.pallas import tpu as pltpu
from jax.experimental.pallas import tpu_sc as plsc

N_VOCAB = 1000000
EMB_DIM = 64
HIDDEN = 128
NUM_CLASSES = 16
BATCH = 16384
SEQ = 200

NC = 2
NS = 16
NW = NC * NS
B_PER_W = BATCH // NW
IDS_BLK = 32
N_BLK = B_PER_W // IDS_BLK
CHUNK_A = 104
CHUNK_B = SEQ - CHUNK_A


def _sc_sums(ids_hbm, emb_hbm, out_hbm, ids_v, rows_v, out_v, sems):
    wid = lax.axis_index("s") * NC + lax.axis_index("c")

    def fire(s, b):
        off_a = pl.multiple_of(s * SEQ, 8)
        off_b = pl.multiple_of(s * SEQ + CHUNK_A, 8)
        pltpu.async_copy(
            emb_hbm.at[ids_v.at[pl.ds(off_a, CHUNK_A)]],
            rows_v.at[b, pl.ds(0, CHUNK_A)], sems.at[b])
        pltpu.async_copy(
            emb_hbm.at[ids_v.at[pl.ds(off_b, CHUNK_B)]],
            rows_v.at[b, pl.ds(CHUNK_A, CHUNK_B)], sems.at[b])

    def drain(b):
        pltpu.make_async_copy(
            emb_hbm.at[pl.ds(0, SEQ)], rows_v.at[b], sems.at[b]).wait()

    def reduce_into(s, b):
        def red_body(r8, acc):
            for dr in range(8):
                r = r8 * 8 + dr
                acc = tuple(acc[q] + rows_v[b, r, pl.ds(16 * q, 16)]
                            for q in range(4))
            return acc

        zero = jnp.zeros((16,), jnp.float32)
        acc = lax.fori_loop(0, SEQ // 8, red_body, (zero, zero, zero, zero))
        for q in range(4):
            out_v[pl.ds(pl.multiple_of(s * EMB_DIM + 16 * q, 8), 16)] = acc[q]

    def blk_body(blk, _):
        base = wid * B_PER_W + blk * IDS_BLK
        ids_off = pl.multiple_of(base * SEQ, 8)
        pltpu.sync_copy(ids_hbm.at[pl.ds(ids_off, IDS_BLK * SEQ)], ids_v)
        fire(0, 0)
        fire(1, 1)

        def pair_body(i, _):
            for b in range(2):
                s = 2 * i + b
                drain(b)
                reduce_into(s, b)

                @pl.when(s + 2 < IDS_BLK)
                def _():
                    fire(s + 2, b)
            return 0

        lax.fori_loop(0, IDS_BLK // 2, pair_body, 0)
        out_off = pl.multiple_of(base * EMB_DIM, 8)
        pltpu.sync_copy(out_v, out_hbm.at[pl.ds(out_off, IDS_BLK * EMB_DIM)])
        return 0

    lax.fori_loop(0, N_BLK, blk_body, 0)


def _sc_gather_pool(input_ids, emb):
    mesh = plsc.VectorSubcoreMesh(core_axis_name="c", subcore_axis_name="s")
    flat = pl.kernel(
        _sc_sums,
        mesh=mesh,
        compiler_params=pltpu.CompilerParams(use_tc_tiling_on_sc=False),
        out_type=jax.ShapeDtypeStruct((BATCH * EMB_DIM,), jnp.float32),
        scratch_types=[
            pltpu.VMEM((IDS_BLK * SEQ,), jnp.int32),
            pltpu.VMEM((2, SEQ, EMB_DIM), jnp.float32),
            pltpu.VMEM((IDS_BLK * EMB_DIM,), jnp.float32),
            pltpu.SemaphoreType.DMA((2,)),
        ],
    )(input_ids.reshape(-1), emb)
    return flat.reshape(BATCH, EMB_DIM)


def _mlp_body(s_ref, w1_ref, b1_ref, w2_ref, b2_ref, o_ref):
    x = s_ref[...] * (1.0 / SEQ)
    h = jnp.dot(x, w1_ref[...], preferred_element_type=jnp.float32)
    h = jnp.maximum(h + b1_ref[...], 0.0)
    o = jnp.dot(h, w2_ref[...], preferred_element_type=jnp.float32)
    o_ref[...] = o + b2_ref[...]


def _tc_mlp(sums, W1, b1, W2, b2):
    blk = 1024
    grid = BATCH // blk
    return pl.pallas_call(
        _mlp_body,
        grid=(grid,),
        in_specs=[
            pl.BlockSpec((blk, EMB_DIM), lambda i: (i, 0)),
            pl.BlockSpec((EMB_DIM, HIDDEN), lambda i: (0, 0)),
            pl.BlockSpec((1, HIDDEN), lambda i: (0, 0)),
            pl.BlockSpec((HIDDEN, NUM_CLASSES), lambda i: (0, 0)),
            pl.BlockSpec((1, NUM_CLASSES), lambda i: (0, 0)),
        ],
        out_specs=pl.BlockSpec((blk, NUM_CLASSES), lambda i: (i, 0)),
        out_shape=jax.ShapeDtypeStruct((BATCH, NUM_CLASSES), jnp.float32),
    )(sums, W1, b1.reshape(1, HIDDEN), W2, b2.reshape(1, NUM_CLASSES))


def kernel(input_ids, emb, W1, b1, W2, b2):
    sums = _sc_gather_pool(input_ids, emb)
    return _tc_mlp(sums, W1, b1, W2, b2)

# --- scband reference (transcript-rebuilt; emitter-appended) ---
"""Pipeline reference for scband-fasttext-24550033064076 (READ-ONLY COPY).

The authoritative reference and input builder live on the scoring server;
editing this copy changes nothing except your own understanding.
"""

import jax, jax.numpy as jnp
import numpy as np

N_VOCAB = 1000000
EMB_DIM = 64
HIDDEN = 128
NUM_CLASSES = 16
BATCH = 16384
SEQ = 200


def setup_inputs(seed: int = 0) -> dict:
    key = jax.random.key(seed)
    k1, k2, k3, k4, k5, k6 = jax.random.split(key, 6)
    input_ids = jax.random.randint(k1, (BATCH, SEQ), 0, N_VOCAB, dtype=jnp.int64 if jax.config.jax_enable_x64 else jnp.int32)
    emb = jax.random.normal(k2, (N_VOCAB, EMB_DIM), dtype=jnp.float32) * 0.02
    # padding_idx=0: row 0 is zero
    emb = emb.at[0].set(0.0)
    W1 = jax.random.normal(k3, (EMB_DIM, HIDDEN), dtype=jnp.float32) * (1.0 / np.sqrt(EMB_DIM))
    b1 = jax.random.normal(k4, (HIDDEN,), dtype=jnp.float32) * 0.01
    W2 = jax.random.normal(k5, (HIDDEN, NUM_CLASSES), dtype=jnp.float32) * (1.0 / np.sqrt(HIDDEN))
    b2 = jax.random.normal(k6, (NUM_CLASSES,), dtype=jnp.float32) * 0.01
    return {"input_ids": input_ids, "emb": emb, "W1": W1, "b1": b1, "W2": W2, "b2": b2}


def reference(input_ids, emb, W1, b1, W2, b2):
    # nn.Embedding with padding_idx=0: enforce row 0 == 0
    emb_eff = emb.at[0].set(jnp.zeros((emb.shape[1],), dtype=emb.dtype))
    out_word = jnp.take(emb_eff, input_ids, axis=0)  # [B, L, D]
    out = out_word.mean(axis=1)  # [B, D]
    # dropout in eval mode -> identity
    out = out @ W1 + b1
    out = jax.nn.relu(out)
    logits = out @ W2 + b2
    return logits

if __name__ == "__main__":
    import jax
    _d = setup_inputs()
    print(jax.jit(kernel)(*tuple(_d.values())))

</pallas_src>

<mosaic_0001>
#map = affine_map<(d0, d1) -> (0)>
#map1 = affine_map<(d0, d1) -> (0, 0)>
module attributes {stable_mosaic.version = 14 : i64} {
  func.func @_sc_sums(%arg0: i32, %arg1: i32, %arg2: memref<3276800xi32, #tpu.memory_space<hbm>>, %arg3: memref<1000000x64xf32, #tpu.memory_space<hbm>>, %arg4: memref<1048576xf32, #tpu.memory_space<hbm>>, %arg5: memref<6400xi32, #tpu.memory_space<vmem>>, %arg6: memref<2x200x64xf32, #tpu.memory_space<vmem>>, %arg7: memref<2048xf32, #tpu.memory_space<vmem>>, %arg8: memref<2x!tpu.dma_semaphore, #tpu.memory_space<semaphore_mem>>) attributes {dimension_semantics = [#tpu.dimension_semantics<core_parallel>, #tpu.dimension_semantics<subcore_parallel>], iteration_bounds = array<i64: 2, 16>, scalar_prefetch = 0 : i64, scratch_operands = 4 : i64, tpu.core_type = #tpu.core_type<sc_vector_subcore>, window_params = [{transform_indices = #map}, {transform_indices = #map1}, {transform_indices = #map}]} {
    %mul3A = arith.constant 2 : i32
    %mul3A_0 = arith.muli %arg1, %mul3A : i32
    %add3A = arith.addi %mul3A_0, %arg0 : i32
    %scan3A = arith.constant 0 : i32
    %scan3A_1 = arith.constant 0 : i32
    %scan3A_2 = arith.constant 16 : i32
    %scan3A_3 = arith.addi %scan3A_1, %scan3A_2 : i32
    %scan3A_4 = arith.constant 1 : i32
    %scan3A_5 = scf.for %scan3A_7 = %scan3A_1 to %scan3A_3 step %scan3A_4 iter_args(%scan3A_8 = %scan3A) -> (i32)  : i32 {
      %mul3A_9 = arith.constant 512 : i32
      %mul3A_10 = arith.muli %add3A, %mul3A_9 : i32
      %mul3A_11 = arith.constant 32 : i32
      %mul3A_12 = arith.muli %scan3A_7, %mul3A_11 : i32
      %add3A_13 = arith.addi %mul3A_10, %mul3A_12 : i32
      %mul3A_14 = arith.constant 200 : i32
      %mul3A_15 = arith.muli %add3A_13, %mul3A_14 : i32
      %multiple_of3A = tpu.assume_multiple %mul3A_15, 8 : i32
      "tpu.region"() ({
        %run_scoped3A = tpu.sem_alloc : memref<!tpu.dma_semaphore, #tpu.memory_space<semaphore_mem>>
        %dma_start3A_82 = tpu.memref_slice %arg2[%multiple_of3A] : memref<3276800xi32, #tpu.memory_space<hbm>> -> memref<6400xi32, #tpu.memory_space<hbm>>
        %dma_start3A_83 = tpu.memref_slice %arg2[%multiple_of3A] : memref<3276800xi32, #tpu.memory_space<hbm>> -> memref<6400xi32, #tpu.memory_space<hbm>>
        tpu.enqueue_dma source(%dma_start3A_83 : memref<6400xi32, #tpu.memory_space<hbm>>) target(%arg5 : memref<6400xi32, #tpu.memory_space<vmem>>) target_semaphore(%run_scoped3A : memref<!tpu.dma_semaphore, #tpu.memory_space<semaphore_mem>>)
        %dma_wait3A = tpu.memref_slice %arg2[%multiple_of3A] : memref<3276800xi32, #tpu.memory_space<hbm>> -> memref<6400xi32, #tpu.memory_space<hbm>>
        %dma_wait3A_84 = tpu.memref_slice %arg2[%multiple_of3A] : memref<3276800xi32, #tpu.memory_space<hbm>> -> memref<6400xi32, #tpu.memory_space<hbm>>
        tpu.wait_dma2 semaphore(%run_scoped3A : memref<!tpu.dma_semaphore, #tpu.memory_space<semaphore_mem>>) src(%dma_wait3A_84 : memref<6400xi32, #tpu.memory_space<hbm>>) dst(%arg5 : memref<6400xi32, #tpu.memory_space<vmem>>)
        tpu.yield
      }) : () -> ()
      %multiple_of3A_16 = arith.constant 0 : i32
      %multiple_of3A_17 = tpu.assume_multiple %multiple_of3A_16, 8 : i32
      %multiple_of3A_18 = arith.constant 104 : i32
      %multiple_of3A_19 = tpu.assume_multiple %multiple_of3A_18, 8 : i32
      %dma_start3A = arith.constant 0 : i32
      %dma_start3A_20 = arith.constant 0 : i32
      %dma_start3A_21 = arith.constant 0 : i32
      %dma_start3A_22 = arith.constant 0 : i32
      %dma_start3A_23 = tpu.memref_slice %arg6[%dma_start3A, %dma_start3A_21, %dma_start3A_22] : memref<2x200x64xf32, #tpu.memory_space<vmem>> -> memref<1x104x64xf32, #tpu.memory_space<vmem>>
      %dma_start3A_24 = tpu.memref_squeeze %dma_start3A_23 : memref<1x104x64xf32, #tpu.memory_space<vmem>> -> memref<104x64xf32, #tpu.memory_space<vmem>>
      %dma_start3A_25 = tpu.memref_slice %arg5[%multiple_of3A_17] : memref<6400xi32, #tpu.memory_space<vmem>> -> memref<104xi32, #tpu.memory_space<vmem>>
      %dma_start3A_26 = arith.constant 0 : i32
      %dma_start3A_27 = arith.constant 0 : i32
      %dma_start3A_28 = tpu.memref_slice %arg3[%dma_start3A_26, %dma_start3A_27] : memref<1000000x64xf32, #tpu.memory_space<hbm>> -> memref<1000000x64xf32, #tpu.memory_space<hbm>>
      %dma_start3A_29 = tpu.memref_slice %arg8[%dma_start3A_20] : memref<2x!tpu.dma_semaphore, #tpu.memory_space<semaphore_mem>> -> memref<1x!tpu.dma_semaphore, #tpu.memory_space<semaphore_mem>>
      %dma_start3A_30 = tpu.memref_squeeze %dma_start3A_29 : memref<1x!tpu.dma_semaphore, #tpu.memory_space<semaphore_mem>> -> memref<!tpu.dma_semaphore, #tpu.memory_space<semaphore_mem>>
      tpu.enqueue_indirect_dma source(%dma_start3A_28 : memref<1000000x64xf32, #tpu.memory_space<hbm>>) target(%dma_start3A_24 : memref<104x64xf32, #tpu.memory_space<vmem>>) offsets(%dma_start3A_25 : memref<104xi32, #tpu.memory_space<vmem>>) semaphore(%dma_start3A_30 : memref<!tpu.dma_semaphore, #tpu.memory_space<semaphore_mem>>)
      %dma_start3A_31 = arith.constant 0 : i32
      %dma_start3A_32 = arith.constant 0 : i32
      %dma_start3A_33 = arith.constant 104 : i32
      %dma_start3A_34 = arith.constant 0 : i32
      %dma_start3A_35 = tpu.memref_slice %arg6[%dma_start3A_31, %dma_start3A_33, %dma_start3A_34] : memref<2x200x64xf32, #tpu.memory_space<vmem>> -> memref<1x96x64xf32, #tpu.memory_space<vmem>>
      %dma_start3A_36 = tpu.memref_squeeze %dma_start3A_35 : memref<1x96x64xf32, #tpu.memory_space<vmem>> -> memref<96x64xf32, #tpu.memory_space<vmem>>
      %dma_start3A_37 = tpu.memref_slice %arg5[%multiple_of3A_19] : memref<6400xi32, #tpu.memory_space<vmem>> -> memref<96xi32, #tpu.memory_space<vmem>>
      %dma_start3A_38 = arith.constant 0 : i32
      %dma_start3A_39 = arith.constant 0 : i32
      %dma_start3A_40 = tpu.memref_slice %arg3[%dma_start3A_38, %dma_start3A_39] : memref<1000000x64xf32, #tpu.memory_space<hbm>> -> memref<1000000x64xf32, #tpu.memory_space<hbm>>
      %dma_start3A_41 = tpu.memref_slice %arg8[%dma_start3A_32] : memref<2x!tpu.dma_semaphore, #tpu.memory_space<semaphore_mem>> -> memref<1x!tpu.dma_semaphore, #tpu.memory_space<semaphore_mem>>
      %dma_start3A_42 = tpu.memref_squeeze %dma_start3A_41 : memref<1x!tpu.dma_semaphore, #tpu.memory_space<semaphore_mem>> -> memref<!tpu.dma_semaphore, #tpu.memory_space<semaphore_mem>>
      tpu.enqueue_indirect_dma source(%dma_start3A_40 : memref<1000000x64xf32, #tpu.memory_space<hbm>>) target(%dma_start3A_36 : memref<96x64xf32, #tpu.memory_space<vmem>>) offsets(%dma_start3A_37 : memref<96xi32, #tpu.memory_space<vmem>>) semaphore(%dma_start3A_42 : memref<!tpu.dma_semaphore, #tpu.memory_space<semaphore_mem>>)
      %multiple_of3A_43 = arith.constant 200 : i32
      %multiple_of3A_44 = tpu.assume_multiple %multiple_of3A_43, 8 : i32
      %multiple_of3A_45 = arith.constant 304 : i32
      %multiple_of3A_46 = tpu.assume_multiple %multiple_of3A_45, 8 : i32
      %dma_start3A_47 = arith.constant 1 : i32
      %dma_start3A_48 = arith.constant 1 : i32
      %dma_start3A_49 = arith.constant 0 : i32
      %dma_start3A_50 = arith.constant 0 : i32
      %dma_start3A_51 = tpu.memref_slice %arg6[%dma_start3A_47, %dma_start3A_49, %dma_start3A_50] : memref<2x200x64xf32, #tpu.memory_space<vmem>> -> memref<1x104x64xf32, #tpu.memory_space<vmem>>
      %dma_start3A_52 = tpu.memref_squeeze %dma_start3A_51 : memref<1x104x64xf32, #tpu.memory_space<vmem>> -> memref<104x64xf32, #tpu.memory_space<vmem>>
      %dma_start3A_53 = tpu.memref_slice %arg5[%multiple_of3A_44] : memref<6400xi32, #tpu.memory_space<vmem>> -> memref<104xi32, #tpu.memory_space<vmem>>
      %dma_start3A_54 = arith.constant 0 : i32
      %dma_start3A_55 = arith.constant 0 : i32
      %dma_start3A_56 = tpu.memref_slice %arg3[%dma_start3A_54, %dma_start3A_55] : memref<1000000x64xf32, #tpu.memory_space<hbm>> -> memref<1000000x64xf32, #tpu.memory_space<hbm>>
      %dma_start3A_57 = tpu.memref_slice %arg8[%dma_start3A_48] : memref<2x!tpu.dma_semaphore, #tpu.memory_space<semaphore_mem>> -> memref<1x!tpu.dma_semaphore, #tpu.memory_space<semaphore_mem>>
      %dma_start3A_58 = tpu.memref_squeeze %dma_start3A_57 : memref<1x!tpu.dma_semaphore, #tpu.memory_space<semaphore_mem>> -> memref<!tpu.dma_semaphore, #tpu.memory_space<semaphore_mem>>
      tpu.enqueue_indirect_dma source(%dma_start3A_56 : memref<1000000x64xf32, #tpu.memory_space<hbm>>) target(%dma_start3A_52 : memref<104x64xf32, #tpu.memory_space<vmem>>) offsets(%dma_start3A_53 : memref<104xi32, #tpu.memory_space<vmem>>) semaphore(%dma_start3A_58 : memref<!tpu.dma_semaphore, #tpu.memory_space<semaphore_mem>>)
      %dma_start3A_59 = arith.constant 1 : i32
      %dma_start3A_60 = arith.constant 1 : i32
      %dma_start3A_61 = arith.constant 104 : i32
      %dma_start3A_62 = arith.constant 0 : i32
      %dma_start3A_63 = tpu.memref_slice %arg6[%dma_start3A_59, %dma_start3A_61, %dma_start3A_62] : memref<2x200x64xf32, #tpu.memory_space<vmem>> -> memref<1x96x64xf32, #tpu.memory_space<vmem>>
      %dma_start3A_64 = tpu.memref_squeeze %dma_start3A_63 : memref<1x96x64xf32, #tpu.memory_space<vmem>> -> memref<96x64xf32, #tpu.memory_space<vmem>>
      %dma_start3A_65 = tpu.memref_slice %arg5[%multiple_of3A_46] : memref<6400xi32, #tpu.memory_space<vmem>> -> memref<96xi32, #tpu.memory_space<vmem>>
      %dma_start3A_66 = arith.constant 0 : i32
      %dma_start3A_67 = arith.constant 0 : i32
      %dma_start3A_68 = tpu.memref_slice %arg3[%dma_start3A_66, %dma_start3A_67] : memref<1000000x64xf32, #tpu.memory_space<hbm>> -> memref<1000000x64xf32, #tpu.memory_space<hbm>>
      %dma_start3A_69 = tpu.memref_slice %arg8[%dma_start3A_60] : memref<2x!tpu.dma_semaphore, #tpu.memory_space<semaphore_mem>> -> memref<1x!tpu.dma_semaphore, #tpu.memory_space<semaphore_mem>>
      %dma_start3A_70 = tpu.memref_squeeze %dma_start3A_69 : memref<1x!tpu.dma_semaphore, #tpu.memory_space<semaphore_mem>> -> memref<!tpu.dma_semaphore, #tpu.memory_space<semaphore_mem>>
      tpu.enqueue_indirect_dma source(%dma_start3A_68 : memref<1000000x64xf32, #tpu.memory_space<hbm>>) target(%dma_start3A_64 : memref<96x64xf32, #tpu.memory_space<vmem>>) offsets(%dma_start3A_65 : memref<96xi32, #tpu.memory_space<vmem>>) semaphore(%dma_start3A_70 : memref<!tpu.dma_semaphore, #tpu.memory_space<semaphore_mem>>)
      %scan3A_71 = arith.constant 0 : i32
      %scan3A_72 = arith.constant 0 : i32
      %scan3A_73 = arith.constant 16 : i32
      %scan3A_74 = arith.addi %scan3A_72, %scan3A_73 : i32
      %scan3A_75 = arith.constant 1 : i32
      %scan3A_76 = scf.for %scan3A_82 = %scan3A_72 to %scan3A_74 step %scan3A_75 iter_args(%scan3A_83 = %scan3A_71) -> (i32)  : i32 {
        %mul3A_84 = arith.constant 2 : i32
        %mul3A_85 = arith.muli %mul3A_84, %scan3A_82 : i32
        %add3A_86 = arith.constant 0 : i32
        %add3A_87 = arith.addi %mul3A_85, %add3A_86 : i32
        %dma_wait3A = arith.constant 0 : i32
        %dma_wait3A_88 = arith.constant 0 : i32
        %dma_wait3A_89 = arith.constant 0 : i32
        %dma_wait3A_90 = arith.constant 0 : i32
        %dma_wait3A_91 = tpu.memref_slice %arg6[%dma_wait3A, %dma_wait3A_89, %dma_wait3A_90] : memref<2x200x64xf32, #tpu.memory_space<vmem>> -> memref<1x200x64xf32, #tpu.memory_space<vmem>>
        %dma_wait3A_92 = tpu.memref_squeeze %dma_wait3A_91 : memref<1x200x64xf32, #tpu.memory_space<vmem>> -> memref<200x64xf32, #tpu.memory_space<vmem>>
        %dma_wait3A_93 = arith.constant 0 : i32
        %dma_wait3A_94 = arith.constant 0 : i32
        %dma_wait3A_95 = tpu.memref_slice %arg3[%dma_wait3A_93, %dma_wait3A_94] : memref<1000000x64xf32, #tpu.memory_space<hbm>> -> memref<200x64xf32, #tpu.memory_space<hbm>>
        %dma_wait3A_96 = tpu.memref_slice %arg8[%dma_wait3A_88] : memref<2x!tpu.dma_semaphore, #tpu.memory_space<semaphore_mem>> -> memref<1x!tpu.dma_semaphore, #tpu.memory_space<semaphore_mem>>
        %dma_wait3A_97 = tpu.memref_squeeze %dma_wait3A_96 : memref<1x!tpu.dma_semaphore, #tpu.memory_space<semaphore_mem>> -> memref<!tpu.dma_semaphore, #tpu.memory_space<semaphore_mem>>
        %dma_wait3A_98 = arith.constant 0 : i32
        %dma_wait3A_99 = arith.constant 0 : i32
        %dma_wait3A_100 = tpu.memref_slice %arg6[%dma_wait3A, %dma_wait3A_98, %dma_wait3A_99] : memref<2x200x64xf32, #tpu.memory_space<vmem>> -> memref<1x200x64xf32, #tpu.memory_space<vmem>>
        %dma_wait3A_101 = tpu.memref_squeeze %dma_wait3A_100 : memref<1x200x64xf32, #tpu.memory_space<vmem>> -> memref<200x64xf32, #tpu.memory_space<vmem>>
        %dma_wait3A_102 = arith.constant 0 : i32
        %dma_wait3A_103 = arith.constant 0 : i32
        %dma_wait3A_104 = tpu.memref_slice %arg3[%dma_wait3A_102, %dma_wait3A_103] : memref<1000000x64xf32, #tpu.memory_space<hbm>> -> memref<200x64xf32, #tpu.memory_space<hbm>>
        tpu.wait_dma2 semaphore(%dma_wait3A_97 : memref<!tpu.dma_semaphore, #tpu.memory_space<semaphore_mem>>) src(%dma_wait3A_104 : memref<200x64xf32, #tpu.memory_space<hbm>>) dst(%dma_wait3A_101 : memref<200x64xf32, #tpu.memory_space<vmem>>)
        %broadcast_in_dim3A = arith.constant 0.000000e+00 : f32
        %broadcast_in_dim3A_105 = vector.broadcast %broadcast_in_dim3A : f32 to vector<16xf32>
        %scan3A_106 = arith.constant 0 : i32
        %scan3A_107 = arith.constant 25 : i32
        %scan3A_108 = arith.addi %scan3A_106, %scan3A_107 : i32
        %scan3A_109 = arith.constant 1 : i32
        %scan3A_110:4 = scf.for %scan3A_225 = %scan3A_106 to %scan3A_108 step %scan3A_109 iter_args(%scan3A_226 = %broadcast_in_dim3A_105, %scan3A_227 = %broadcast_in_dim3A_105, %scan3A_228 = %broadcast_in_dim3A_105, %scan3A_229 = %broadcast_in_dim3A_105) -> (vector<16xf32>, vector<16xf32>, vector<16xf32>, vector<16xf32>)  : i32 {
          %mul3A_230 = arith.constant 8 : i32
          %mul3A_231 = arith.muli %scan3A_225, %mul3A_230 : i32
          %add3A_232 = arith.constant 0 : i32
          %add3A_233 = arith.addi %mul3A_231, %add3A_232 : i32
          %get3A = arith.constant 0 : i32
          %get3A_234 = arith.index_cast %get3A : i32 to index
          %get3A_235 = arith.index_cast %add3A_233 : i32 to index
          %get3A_236 = arith.constant 0 : index
          %get3A_237 = tpu.vector_load %arg6[%get3A_234, %get3A_235, %get3A_236] {strides = array<i32>} : memref<2x200x64xf32, #tpu.memory_space<vmem>>, vector<1x1x16xf32>,
          %get3A_238 = vector.shape_cast %get3A_237 : vector<1x1x16xf32> to vector<16xf32>
          %add3A_239 = arith.addf %scan3A_226, %get3A_238 : vector<16xf32>
          %get3A_240 = arith.constant 0 : i32
          %get3A_241 = arith.index_cast %get3A_240 : i32 to index
          %get3A_242 = arith.index_cast %add3A_233 : i32 to index
          %get3A_243 = arith.constant 16 : index
          %get3A_244 = tpu.vector_load %arg6[%get3A_241, %get3A_242, %get3A_243] {strides = array<i32>} : memref<2x200x64xf32, #tpu.memory_space<vmem>>, vector<1x1x16xf32>,
          %get3A_245 = vector.shape_cast %get3A_244 : vector<1x1x16xf32> to vector<16xf32>
          %add3A_246 = arith.addf %scan3A_227, %get3A_245 : vector<16xf32>
          %get3A_247 = arith.constant 0 : i32
          %get3A_248 = arith.index_cast %get3A_247 : i32 to index
          %get3A_249 = arith.index_cast %add3A_233 : i32 to index
          %get3A_250 = arith.constant 32 : index
          %get3A_251 = tpu.vector_load %arg6[%get3A_248, %get3A_249, %get3A_250] {strides = array<i32>} : memref<2x200x64xf32, #tpu.memory_space<vmem>>, vector<1x1x16xf32>,
          %get3A_252 = vector.shape_cast %get3A_251 : vector<1x1x16xf32> to vector<16xf32>
          %add3A_253 = arith.addf %scan3A_228, %get3A_252 : vector<16xf32>
          %get3A_254 = arith.constant 0 : i32
          %get3A_255 = arith.index_cast %get3A_254 : i32 to index
          %get3A_256 = arith.index_cast %add3A_233 : i32 to index
          %get3A_257 = arith.constant 48 : index
          %get3A_258 = tpu.vector_load %arg6[%get3A_255, %get3A_256, %get3A_257] {strides = array<i32>} : memref<2x200x64xf32, #tpu.memory_space<vmem>>, vector<1x1x16xf32>,
          %get3A_259 = vector.shape_cast %get3A_258 : vector<1x1x16xf32> to vector<16xf32>
          %add3A_260 = arith.addf %scan3A_229, %get3A_259 : vector<16xf32>
          %mul3A_261 = arith.constant 8 : i32
          %mul3A_262 = arith.muli %scan3A_225, %mul3A_261 : i32
          %add3A_263 = arith.constant 1 : i32
          %add3A_264 = arith.addi %mul3A_262, %add3A_263 : i32
          %get3A_265 = arith.constant 0 : i32
          %get3A_266 = arith.index_cast %get3A_265 : i32 to index
          %get3A_267 = arith.index_cast %add3A_264 : i32 to index
          %get3A_268 = arith.constant 0 : index
          %get3A_269 = tpu.vector_load %arg6[%get3A_266, %get3A_267, %get3A_268] {strides = array<i32>} : memref<2x200x64xf32, #tpu.memory_space<vmem>>, vector<1x1x16xf32>,
          %get3A_270 = vector.shape_cast %get3A_269 : vector<1x1x16xf32> to vector<16xf32>
          %add3A_271 = arith.addf %add3A_239, %get3A_270 : vector<16xf32>
          %get3A_272 = arith.constant 0 : i32
          %get3A_273 = arith.index_cast %get3A_272 : i32 to index
          %get3A_274 = arith.index_cast %add3A_264 : i32 to index
          %get3A_275 = arith.constant 16 : index
          %get3A_276 = tpu.vector_load %arg6[%get3A_273, %get3A_274, %get3A_275] {strides = array<i32>} : memref<2x200x64xf32, #tpu.memory_space<vmem>>, vector<1x1x16xf32>,
          %get3A_277 = vector.shape_cast %get3A_276 : vector<1x1x16xf32> to vector<16xf32>
          %add3A_278 = arith.addf %add3A_246, %get3A_277 : vector<16xf32>
          %get3A_279 = arith.constant 0 : i32
          %get3A_280 = arith.index_cast %get3A_279 : i32 to index
          %get3A_281 = arith.index_cast %add3A_264 : i32 to index
          %get3A_282 = arith.constant 32 : index
          %get3A_283 = tpu.vector_load %arg6[%get3A_280, %get3A_281, %get3A_282] {strides = array<i32>} : memref<2x200x64xf32, #tpu.memory_space<vmem>>, vector<1x1x16xf32>,
          %get3A_284 = vector.shape_cast %get3A_283 : vector<1x1x16xf32> to vector<16xf32>
          %add3A_285 = arith.addf %add3A_253, %get3A_284 : vector<16xf32>
          %get3A_286 = arith.constant 0 : i32
          %get3A_287 = arith.index_cast %get3A_286 : i32 to index
          %get3A_288 = arith.index_cast %add3A_264 : i32 to index
          %get3A_289 = arith.constant 48 : index
          %get3A_290 = tpu.vector_load %arg6[%get3A_287, %get3A_288, %get3A_289] {strides = array<i32>} : memref<2x200x64xf32, #tpu.memory_space<vmem>>, vector<1x1x16xf32>,
          %get3A_291 = vector.shape_cast %get3A_290 : vector<1x1x16xf32> to vector<16xf32>
          %add3A_292 = arith.addf %add3A_260, %get3A_291 : vector<16xf32>
          %mul3A_293 = arith.constant 8 : i32
          %mul3A_294 = arith.muli %scan3A_225, %mul3A_293 : i32
          %add3A_295 = arith.constant 2 : i32
          %add3A_296 = arith.addi %mul3A_294, %add3A_295 : i32
          %get3A_297 = arith.constant 0 : i32
          %get3A_298 = arith.index_cast %get3A_297 : i32 to index
          %get3A_299 = arith.index_cast %add3A_296 : i32 to index
          %get3A_300 = arith.constant 0 : index
          %get3A_301 = tpu.vector_load %arg6[%get3A_298, %get3A_299, %get3A_300] {strides = array<i32>} : memref<2x200x64xf32, #tpu.memory_space<vmem>>, vector<1x1x16xf32>,
          %get3A_302 = vector.shape_cast %get3A_301 : vector<1x1x16xf32> to vector<16xf32>
          %add3A_303 = arith.addf %add3A_271, %get3A_302 : vector<16xf32>
          %get3A_304 = arith.constant 0 : i32
          %get3A_305 = arith.index_cast %get3A_304 : i32 to index
          %get3A_306 = arith.index_cast %add3A_296 : i32 to index
          %get3A_307 = arith.constant 16 : index
          %get3A_308 = tpu.vector_load %arg6[%get3A_305, %get3A_306, %get3A_307] {strides = array<i32>} : memref<2x200x64xf32, #tpu.memory_space<vmem>>, vector<1x1x16xf32>,
          %get3A_309 = vector.shape_cast %get3A_308 : vector<1x1x16xf32> to vector<16xf32>
          %add3A_310 = arith.addf %add3A_278, %get3A_309 : vector<16xf32>
          %get3A_311 = arith.constant 0 : i32
          %get3A_312 = arith.index_cast %get3A_311 : i32 to index
          %get3A_313 = arith.index_cast %add3A_296 : i32 to index
          %get3A_314 = arith.constant 32 : index
          %get3A_315 = tpu.vector_load %arg6[%get3A_312, %get3A_313, %get3A_314] {strides = array<i32>} : memref<2x200x64xf32, #tpu.memory_space<vmem>>, vector<1x1x16xf32>,
          %get3A_316 = vector.shape_cast %get3A_315 : vector<1x1x16xf32> to vector<16xf32>
          %add3A_317 = arith.addf %add3A_285, %get3A_316 : vector<16xf32>
          %get3A_318 = arith.constant 0 : i32
          %get3A_319 = arith.index_cast %get3A_318 : i32 to index
          %get3A_320 = arith.index_cast %add3A_296 : i32 to index
          %get3A_321 = arith.constant 48 : index
          %get3A_322 = tpu.vector_load %arg6[%get3A_319, %get3A_320, %get3A_321] {strides = array<i32>} : memref<2x200x64xf32, #tpu.memory_space<vmem>>, vector<1x1x16xf32>,
          %get3A_323 = vector.shape_cast %get3A_322 : vector<1x1x16xf32> to vector<16xf32>
          %add3A_324 = arith.addf %add3A_292, %get3A_323 : vector<16xf32>
          %mul3A_325 = arith.constant 8 : i32
          %mul3A_326 = arith.muli %scan3A_225, %mul3A_325 : i32
          %add3A_327 = arith.constant 3 : i32
          %add3A_328 = arith.addi %mul3A_326, %add3A_327 : i32
          %get3A_329 = arith.constant 0 : i32
          %get3A_330 = arith.index_cast %get3A_329 : i32 to index
          %get3A_331 = arith.index_cast %add3A_328 : i32 to index
          %get3A_332 = arith.constant 0 : index
          %get3A_333 = tpu.vector_load %arg6[%get3A_330, %get3A_331, %get3A_332] {strides = array<i32>} : memref<2x200x64xf32, #tpu.memory_space<vmem>>, vector<1x1x16xf32>,
          %get3A_334 = vector.shape_cast %get3A_333 : vector<1x1x16xf32> to vector<16xf32>
          %add3A_335 = arith.addf %add3A_303, %get3A_334 : vector<16xf32>
          %get3A_336 = arith.constant 0 : i32
          %get3A_337 = arith.index_cast %get3A_336 : i32 to index
          %get3A_338 = arith.index_cast %add3A_328 : i32 to index
          %get3A_339 = arith.constant 16 : index
          %get3A_340 = tpu.vector_load %arg6[%get3A_337, %get3A_338, %get3A_339] {strides = array<i32>} : memref<2x200x64xf32, #tpu.memory_space<vmem>>, vector<1x1x16xf32>,
          %get3A_341 = vector.shape_cast %get3A_340 : vector<1x1x16xf32> to vector<16xf32>
          %add3A_342 = arith.addf %add3A_310, %get3A_341 : vector<16xf32>
          %get3A_343 = arith.constant 0 : i32
          %get3A_344 = arith.index_cast %get3A_343 : i32 to index
          %get3A_345 = arith.index_cast %add3A_328 : i32 to index
          %get3A_346 = arith.constant 32 : index
          %get3A_347 = tpu.vector_load %arg6[%get3A_344, %get3A_345, %get3A_346] {strides = array<i32>} : memref<2x200x64xf32, #tpu.memory_space<vmem>>, vector<1x1x16xf32>,
          %get3A_348 = vector.shape_cast %get3A_347 : vector<1x1x16xf32> to vector<16xf32>
          %add3A_349 = arith.addf %add3A_317, %get3A_348 : vector<16xf32>
          %get3A_350 = arith.constant 0 : i32
          %get3A_351 = arith.index_cast %get3A_350 : i32 to index
          %get3A_352 = arith.index_cast %add3A_328 : i32 to index
          %get3A_353 = arith.constant 48 : index
          %get3A_354 = tpu.vector_load %arg6[%get3A_351, %get3A_352, %get3A_353] {strides = array<i32>} : memref<2x200x64xf32, #tpu.memory_space<vmem>>, vector<1x1x16xf32>,
          %get3A_355 = vector.shape_cast %get3A_354 : vector<1x1x16xf32> to vector<16xf32>
          %add3A_356 = arith.addf %add3A_324, %get3A_355 : vector<16xf32>
          %mul3A_357 = arith.constant 8 : i32
          %mul3A_358 = arith.muli %scan3A_225, %mul3A_357 : i32
          %add3A_359 = arith.constant 4 : i32
          %add3A_360 = arith.addi %mul3A_358, %add3A_359 : i32
          %get3A_361 = arith.constant 0 : i32
          %get3A_362 = arith.index_cast %get3A_361 : i32 to index
          %get3A_363 = arith.index_cast %add3A_360 : i32 to index
          %get3A_364 = arith.constant 0 : index
          %get3A_365 = tpu.vector_load %arg6[%get3A_362, %get3A_363, %get3A_364] {strides = array<i32>} : memref<2x200x64xf32, #tpu.memory_space<vmem>>, vector<1x1x16xf32>,
          %get3A_366 = vector.shape_cast %get3A_365 : vector<1x1x16xf32> to vector<16xf32>
          %add3A_367 = arith.addf %add3A_335, %get3A_366 : vector<16xf32>
          %get3A_368 = arith.constant 0 : i32
          %get3A_369 = arith.index_cast %get3A_368 : i32 to index
          %get3A_370 = arith.index_cast %add3A_360 : i32 to index
          %get3A_371 = arith.constant 16 : index
          %get3A_372 = tpu.vector_load %arg6[%get3A_369, %get3A_370, %get3A_371] {strides = array<i32>} : memref<2x200x64xf32, #tpu.memory_space<vmem>>, vector<1x1x16xf32>,
          %get3A_373 = vector.shape_cast %get3A_372 : vector<1x1x16xf32> to vector<16xf32>
          %add3A_374 = arith.addf %add3A_342, %get3A_373 : vector<16xf32>
          %get3A_375 = arith.constant 0 : i32
          %get3A_376 = arith.index_cast %get3A_375 : i32 to index
          %get3A_377 = arith.index_cast %add3A_360 : i32 to index
          %get3A_378 = arith.constant 32 : index
          %get3A_379 = tpu.vector_load %arg6[%get3A_376, %get3A_377, %get3A_378] {strides = array<i32>} : memref<2x200x64xf32, #tpu.memory_space<vmem>>, vector<1x1x16xf32>,
          %get3A_380 = vector.shape_cast %get3A_379 : vector<1x1x16xf32> to vector<16xf32>
          %add3A_381 = arith.addf %add3A_349, %get3A_380 : vector<16xf32>
          %get3A_382 = arith.constant 0 : i32
          %get3A_383 = arith.index_cast %get3A_382 : i32 to index
          %get3A_384 = arith.index_cast %add3A_360 : i32 to index
          %get3A_385 = arith.constant 48 : index
          %get3A_386 = tpu.vector_load %arg6[%get3A_383, %get3A_384, %get3A_385] {strides = array<i32>} : memref<2x200x64xf32, #tpu.memory_space<vmem>>, vector<1x1x16xf32>,
          %get3A_387 = vector.shape_cast %get3A_386 : vector<1x1x16xf32> to vector<16xf32>
          %add3A_388 = arith.addf %add3A_356, %get3A_387 : vector<16xf32>
          %mul3A_389 = arith.constant 8 : i32
          %mul3A_390 = arith.muli %scan3A_225, %mul3A_389 : i32
          %add3A_391 = arith.constant 5 : i32
          %add3A_392 = arith.addi %mul3A_390, %add3A_391 : i32
          %get3A_393 = arith.constant 0 : i32
          %get3A_394 = arith.index_cast %get3A_393 : i32 to index
          %get3A_395 = arith.index_cast %add3A_392 : i32 to index
          %get3A_396 = arith.constant 0 : index
          %get3A_397 = tpu.vector_load %arg6[%get3A_394, %get3A_395, %get3A_396] {strides = array<i32>} : memref<2x200x64xf32, #tpu.memory_space<vmem>>, vector<1x1x16xf32>,
          %get3A_398 = vector.shape_cast %get3A_397 : vector<1x1x16xf32> to vector<16xf32>
          %add3A_399 = arith.addf %add3A_367, %get3A_398 : vector<16xf32>
          %get3A_400 = arith.constant 0 : i32
          %get3A_401 = arith.index_cast %get3A_400 : i32 to index
          %get3A_402 = arith.index_cast %add3A_392 : i32 to index
          %get3A_403 = arith.constant 16 : index
          %get3A_404 = tpu.vector_load %arg6[%get3A_401, %get3A_402, %get3A_403] {strides = array<i32>} : memref<2x200x64xf32, #tpu.memory_space<vmem>>, vector<1x1x16xf32>,
          %get3A_405 = vector.shape_cast %get3A_404 : vector<1x1x16xf32> to vector<16xf32>
          %add3A_406 = arith.addf %add3A_374, %get3A_405 : vector<16xf32>
          %get3A_407 = arith.constant 0 : i32
          %get3A_408 = arith.index_cast %get3A_407 : i32 to index
          %get3A_409 = arith.index_cast %add3A_392 : i32 to index
          %get3A_410 = arith.constant 32 : index
          %get3A_411 = tpu.vector_load %arg6[%get3A_408, %get3A_409, %get3A_410] {strides = array<i32>} : memref<2x200x64xf32, #tpu.memory_space<vmem>>, vector<1x1x16xf32>,
          %get3A_412 = vector.shape_cast %get3A_411 : vector<1x1x16xf32> to vector<16xf32>
          %add3A_413 = arith.addf %add3A_381, %get3A_412 : vector<16xf32>
          %get3A_414 = arith.constant 0 : i32
          %get3A_415 = arith.index_cast %get3A_414 : i32 to index
          %get3A_416 = arith.index_cast %add3A_392 : i32 to index
          %get3A_417 = arith.constant 48 : index
          %get3A_418 = tpu.vector_load %arg6[%get3A_415, %get3A_416, %get3A_417] {strides = array<i32>} : memref<2x200x64xf32, #tpu.memory_space<vmem>>, vector<1x1x16xf32>,
          %get3A_419 = vector.shape_cast %get3A_418 : vector<1x1x16xf32> to vector<16xf32>
          %add3A_420 = arith.addf %add3A_388, %get3A_419 : vector<16xf32>
          %mul3A_421 = arith.constant 8 : i32
          %mul3A_422 = arith.muli %scan3A_225, %mul3A_421 : i32
          %add3A_423 = arith.constant 6 : i32
          %add3A_424 = arith.addi %mul3A_422, %add3A_423 : i32
          %get3A_425 = arith.constant 0 : i32
          %get3A_426 = arith.index_cast %get3A_425 : i32 to index
          %get3A_427 = arith.index_cast %add3A_424 : i32 to index
          %get3A_428 = arith.constant 0 : index
          %get3A_429 = tpu.vector_load %arg6[%get3A_426, %get3A_427, %get3A_428] {strides = array<i32>} : memref<2x200x64xf32, #tpu.memory_space<vmem>>, vector<1x1x16xf32>,
          %get3A_430 = vector.shape_cast %get3A_429 : vector<1x1x16xf32> to vector<16xf32>
          %add3A_431 = arith.addf %add3A_399, %get3A_430 : vector<16xf32>
          %get3A_432 = arith.constant 0 : i32
          %get3A_433 = arith.index_cast %get3A_432 : i32 to index
          %get3A_434 = arith.index_cast %add3A_424 : i32 to index
          %get3A_435 = arith.constant 16 : index
          %get3A_436 = tpu.vector_load %arg6[%get3A_433, %get3A_434, %get3A_435] {strides = array<i32>} : memref<2x200x64xf32, #tpu.memory_space<vmem>>, vector<1x1x16xf32>,
          %get3A_437 = vector.shape_cast %get3A_436 : vector<1x1x16xf32> to vector<16xf32>
          %add3A_438 = arith.addf %add3A_406, %get3A_437 : vector<16xf32>
          %get3A_439 = arith.constant 0 : i32
          %get3A_440 = arith.index_cast %get3A_439 : i32 to index
          %get3A_441 = arith.index_cast %add3A_424 : i32 to index
          %get3A_442 = arith.constant 32 : index
          %get3A_443 = tpu.vector_load %arg6[%get3A_440, %get3A_441, %get3A_442] {strides = array<i32>} : memref<2x200x64xf32, #tpu.memory_space<vmem>>, vector<1x1x16xf32>,
          %get3A_444 = vector.shape_cast %get3A_443 : vector<1x1x16xf32> to vector<16xf32>
          %add3A_445 = arith.addf %add3A_413, %get3A_444 : vector<16xf32>
          %get3A_446 = arith.constant 0 : i32
          %get3A_447 = arith.index_cast %get3A_446 : i32 to index
          %get3A_448 = arith.index_cast %add3A_424 : i32 to index
          %get3A_449 = arith.constant 48 : index
          %get3A_450 = tpu.vector_load %arg6[%get3A_447, %get3A_448, %get3A_449] {strides = array<i32>} : memref<2x200x64xf32, #tpu.memory_space<vmem>>, vector<1x1x16xf32>,
          %get3A_451 = vector.shape_cast %get3A_450 : vector<1x1x16xf32> to vector<16xf32>
          %add3A_452 = arith.addf %add3A_420, %get3A_451 : vector<16xf32>
          %mul3A_453 = arith.constant 8 : i32
          %mul3A_454 = arith.muli %scan3A_225, %mul3A_453 : i32
          %add3A_455 = arith.constant 7 : i32
          %add3A_456 = arith.addi %mul3A_454, %add3A_455 : i32
          %get3A_457 = arith.constant 0 : i32
          %get3A_458 = arith.index_cast %get3A_457 : i32 to index
          %get3A_459 = arith.index_cast %add3A_456 : i32 to index
          %get3A_460 = arith.constant 0 : index
          %get3A_461 = tpu.vector_load %arg6[%get3A_458, %get3A_459, %get3A_460] {strides = array<i32>} : memref<2x200x64xf32, #tpu.memory_space<vmem>>, vector<1x1x16xf32>,
          %get3A_462 = vector.shape_cast %get3A_461 : vector<1x1x16xf32> to vector<16xf32>
          %add3A_463 = arith.addf %add3A_431, %get3A_462 : vector<16xf32>
          %get3A_464 = arith.constant 0 : i32
          %get3A_465 = arith.index_cast %get3A_464 : i32 to index
          %get3A_466 = arith.index_cast %add3A_456 : i32 to index
          %get3A_467 = arith.constant 16 : index
          %get3A_468 = tpu.vector_load %arg6[%get3A_465, %get3A_466, %get3A_467] {strides = array<i32>} : memref<2x200x64xf32, #tpu.memory_space<vmem>>, vector<1x1x16xf32>,
          %get3A_469 = vector.shape_cast %get3A_468 : vector<1x1x16xf32> to vector<16xf32>
          %add3A_470 = arith.addf %add3A_438, %get3A_469 : vector<16xf32>
          %get3A_471 = arith.constant 0 : i32
          %get3A_472 = arith.index_cast %get3A_471 : i32 to index
          %get3A_473 = arith.index_cast %add3A_456 : i32 to index
          %get3A_474 = arith.constant 32 : index
          %get3A_475 = tpu.vector_load %arg6[%get3A_472, %get3A_473, %get3A_474] {strides = array<i32>} : memref<2x200x64xf32, #tpu.memory_space<vmem>>, vector<1x1x16xf32>,
          %get3A_476 = vector.shape_cast %get3A_475 : vector<1x1x16xf32> to vector<16xf32>
          %add3A_477 = arith.addf %add3A_445, %get3A_476 : vector<16xf32>
          %get3A_478 = arith.constant 0 : i32
          %get3A_479 = arith.index_cast %get3A_478 : i32 to index
          %get3A_480 = arith.index_cast %add3A_456 : i32 to index
          %get3A_481 = arith.constant 48 : index
          %get3A_482 = tpu.vector_load %arg6[%get3A_479, %get3A_480, %get3A_481] {strides = array<i32>} : memref<2x200x64xf32, #tpu.memory_space<vmem>>, vector<1x1x16xf32>,
          %get3A_483 = vector.shape_cast %get3A_482 : vector<1x1x16xf32> to vector<16xf32>
          %add3A_484 = arith.addf %add3A_452, %get3A_483 : vector<16xf32>
          scf.yield %add3A_463, %add3A_470, %add3A_477, %add3A_484 : vector<16xf32>, vector<16xf32>, vector<16xf32>, vector<16xf32>
        }
        %scan3A_111 = arith.constant 25 : i32
        %mul3A_112 = arith.constant 64 : i32
        %mul3A_113 = arith.muli %add3A_87, %mul3A_112 : i32
        %add3A_114 = arith.constant 0 : i32
        %add3A_115 = arith.addi %mul3A_113, %add3A_114 : i32
        %multiple_of3A_116 = tpu.assume_multiple %add3A_115, 8 : i32
        %swap3A = arith.index_cast %multiple_of3A_116 : i32 to index
        %swap3A_117 = tpu.vector_load %arg7[%swap3A] {strides = array<i32>} : memref<2048xf32, #tpu.memory_space<vmem>>, vector<16xf32>,
        %swap3A_118 = vector.shape_cast %swap3A_117 : vector<16xf32> to vector<16xf32>
        %swap3A_119 = vector.shape_cast %scan3A_110#0 : vector<16xf32> to vector<16xf32>
        tpu.vector_store %arg7[%swap3A], %swap3A_119 {strides = array<i32>} : memref<2048xf32, #tpu.memory_space<vmem>>, vector<16xf32>,
        %mul3A_120 = arith.constant 64 : i32
        %mul3A_121 = arith.muli %add3A_87, %mul3A_120 : i32
        %add3A_122 = arith.constant 16 : i32
        %add3A_123 = arith.addi %mul3A_121, %add3A_122 : i32
        %multiple_of3A_124 = tpu.assume_multiple %add3A_123, 8 : i32
        %swap3A_125 = arith.index_cast %multiple_of3A_124 : i32 to index
        %swap3A_126 = tpu.vector_load %arg7[%swap3A_125] {strides = array<i32>} : memref<2048xf32, #tpu.memory_space<vmem>>, vector<16xf32>,
        %swap3A_127 = vector.shape_cast %swap3A_126 : vector<16xf32> to vector<16xf32>
        %swap3A_128 = vector.shape_cast %scan3A_110#1 : vector<16xf32> to vector<16xf32>
        tpu.vector_store %arg7[%swap3A_125], %swap3A_128 {strides = array<i32>} : memref<2048xf32, #tpu.memory_space<vmem>>, vector<16xf32>,
        %mul3A_129 = arith.constant 64 : i32
        %mul3A_130 = arith.muli %add3A_87, %mul3A_129 : i32
        %add3A_131 = arith.constant 32 : i32
        %add3A_132 = arith.addi %mul3A_130, %add3A_131 : i32
        %multiple_of3A_133 = tpu.assume_multiple %add3A_132, 8 : i32
        %swap3A_134 = arith.index_cast %multiple_of3A_133 : i32 to index
        %swap3A_135 = tpu.vector_load %arg7[%swap3A_134] {strides = array<i32>} : memref<2048xf32, #tpu.memory_space<vmem>>, vector<16xf32>,
        %swap3A_136 = vector.shape_cast %swap3A_135 : vector<16xf32> to vector<16xf32>
        %swap3A_137 = vector.shape_cast %scan3A_110#2 : vector<16xf32> to vector<16xf32>
        tpu.vector_store %arg7[%swap3A_134], %swap3A_137 {strides = array<i32>} : memref<2048xf32, #tpu.memory_space<vmem>>, vector<16xf32>,
        %mul3A_138 = arith.constant 64 : i32
        %mul3A_139 = arith.muli %add3A_87, %mul3A_138 : i32
        %add3A_140 = arith.constant 48 : i32
        %add3A_141 = arith.addi %mul3A_139, %add3A_140 : i32
        %multiple_of3A_142 = tpu.assume_multiple %add3A_141, 8 : i32
        %swap3A_143 = arith.index_cast %multiple_of3A_142 : i32 to index
        %swap3A_144 = tpu.vector_load %arg7[%swap3A_143] {strides = array<i32>} : memref<2048xf32, #tpu.memory_space<vmem>>, vector<16xf32>,
        %swap3A_145 = vector.shape_cast %swap3A_144 : vector<16xf32> to vector<16xf32>
        %swap3A_146 = vector.shape_cast %scan3A_110#3 : vector<16xf32> to vector<16xf32>
        tpu.vector_store %arg7[%swap3A_143], %swap3A_146 {strides = array<i32>} : memref<2048xf32, #tpu.memory_space<vmem>>, vector<16xf32>,
        %add3A_147 = arith.constant 2 : i32
        %add3A_148 = arith.addi %add3A_87, %add3A_147 : i32
        %lt3A = arith.constant 32 : i32
        %lt3A_149 = arith.cmpi slt, %add3A_148, %lt3A : i32
        %convert_element_type3A = arith.extui %lt3A_149 : i1 to i32
        %cond3A = arith.constant 0 : i32
        %cond3A_150 = arith.cmpi ne, %convert_element_type3A, %cond3A : i32
        scf.if %cond3A_150 {
          %add3A_225 = arith.constant 2 : i32
          %add3A_226 = arith.addi %add3A_87, %add3A_225 : i32
          %mul3A_227 = arith.constant 200 : i32
          %mul3A_228 = arith.muli %add3A_226, %mul3A_227 : i32
          %multiple_of3A_229 = tpu.assume_multiple %mul3A_228, 8 : i32
          %mul3A_230 = arith.constant 200 : i32
          %mul3A_231 = arith.muli %add3A_226, %mul3A_230 : i32
          %add3A_232 = arith.constant 104 : i32
          %add3A_233 = arith.addi %mul3A_231, %add3A_232 : i32
          %multiple_of3A_234 = tpu.assume_multiple %add3A_233, 8 : i32
          %dma_start3A_235 = arith.constant 0 : i32
          %dma_start3A_236 = arith.constant 0 : i32
          %dma_start3A_237 = arith.constant 0 : i32
          %dma_start3A_238 = arith.constant 0 : i32
          %dma_start3A_239 = tpu.memref_slice %arg6[%dma_start3A_235, %dma_start3A_237, %dma_start3A_238] : memref<2x200x64xf32, #tpu.memory_space<vmem>> -> memref<1x104x64xf32, #tpu.memory_space<vmem>>
          %dma_start3A_240 = tpu.memref_squeeze %dma_start3A_239 : memref<1x104x64xf32, #tpu.memory_space<vmem>> -> memref<104x64xf32, #tpu.memory_space<vmem>>
          %dma_start3A_241 = tpu.memref_slice %arg5[%multiple_of3A_229] : memref<6400xi32, #tpu.memory_space<vmem>> -> memref<104xi32, #tpu.memory_space<vmem>>
          %dma_start3A_242 = arith.constant 0 : i32
          %dma_start3A_243 = arith.constant 0 : i32
          %dma_start3A_244 = tpu.memref_slice %arg3[%dma_start3A_242, %dma_start3A_243] : memref<1000000x64xf32, #tpu.memory_space<hbm>> -> memref<1000000x64xf32, #tpu.memory_space<hbm>>
          %dma_start3A_245 = tpu.memref_slice %arg8[%dma_start3A_236] : memref<2x!tpu.dma_semaphore, #tpu.memory_space<semaphore_mem>> -> memref<1x!tpu.dma_semaphore, #tpu.memory_space<semaphore_mem>>
          %dma_start3A_246 = tpu.memref_squeeze %dma_start3A_245 : memref<1x!tpu.dma_semaphore, #tpu.memory_space<semaphore_mem>> -> memref<!tpu.dma_semaphore, #tpu.memory_space<semaphore_mem>>
          tpu.enqueue_indirect_dma source(%dma_start3A_244 : memref<1000000x64xf32, #tpu.memory_space<hbm>>) target(%dma_start3A_240 : memref<104x64xf32, #tpu.memory_space<vmem>>) offsets(%dma_start3A_241 : memref<104xi32, #tpu.memory_space<vmem>>) semaphore(%dma_start3A_246 : memref<!tpu.dma_semaphore, #tpu.memory_space<semaphore_mem>>)
          %dma_start3A_247 = arith.constant 0 : i32
          %dma_start3A_248 = arith.constant 0 : i32
          %dma_start3A_249 = arith.constant 104 : i32
          %dma_start3A_250 = arith.constant 0 : i32
          %dma_start3A_251 = tpu.memref_slice %arg6[%dma_start3A_247, %dma_start3A_249, %dma_start3A_250] : memref<2x200x64xf32, #tpu.memory_space<vmem>> -> memref<1x96x64xf32, #tpu.memory_space<vmem>>
          %dma_start3A_252 = tpu.memref_squeeze %dma_start3A_251 : memref<1x96x64xf32, #tpu.memory_space<vmem>> -> memref<96x64xf32, #tpu.memory_space<vmem>>
          %dma_start3A_253 = tpu.memref_slice %arg5[%multiple_of3A_234] : memref<6400xi32, #tpu.memory_space<vmem>> -> memref<96xi32, #tpu.memory_space<vmem>>
          %dma_start3A_254 = arith.constant 0 : i32
          %dma_start3A_255 = arith.constant 0 : i32
          %dma_start3A_256 = tpu.memref_slice %arg3[%dma_start3A_254, %dma_start3A_255] : memref<1000000x64xf32, #tpu.memory_space<hbm>> -> memref<1000000x64xf32, #tpu.memory_space<hbm>>
          %dma_start3A_257 = tpu.memref_slice %arg8[%dma_start3A_248] : memref<2x!tpu.dma_semaphore, #tpu.memory_space<semaphore_mem>> -> memref<1x!tpu.dma_semaphore, #tpu.memory_space<semaphore_mem>>
          %dma_start3A_258 = tpu.memref_squeeze %dma_start3A_257 : memref<1x!tpu.dma_semaphore, #tpu.memory_space<semaphore_mem>> -> memref<!tpu.dma_semaphore, #tpu.memory_space<semaphore_mem>>
          tpu.enqueue_indirect_dma source(%dma_start3A_256 : memref<1000000x64xf32, #tpu.memory_space<hbm>>) target(%dma_start3A_252 : memref<96x64xf32, #tpu.memory_space<vmem>>) offsets(%dma_start3A_253 : memref<96xi32, #tpu.memory_space<vmem>>) semaphore(%dma_start3A_258 : memref<!tpu.dma_semaphore, #tpu.memory_space<semaphore_mem>>)
        } else {
        }
        %mul3A_151 = arith.constant 2 : i32
        %mul3A_152 = arith.muli %mul3A_151, %scan3A_82 : i32
        %add3A_153 = arith.constant 1 : i32
        %add3A_154 = arith.addi %mul3A_152, %add3A_153 : i32
        %dma_wait3A_155 = arith.constant 1 : i32
        %dma_wait3A_156 = arith.constant 1 : i32
        %dma_wait3A_157 = arith.constant 0 : i32
        %dma_wait3A_158 = arith.constant 0 : i32
        %dma_wait3A_159 = tpu.memref_slice %arg6[%dma_wait3A_155, %dma_wait3A_157, %dma_wait3A_158] : memref<2x200x64xf32, #tpu.memory_space<vmem>> -> memref<1x200x64xf32, #tpu.memory_space<vmem>>
        %dma_wait3A_160 = tpu.memref_squeeze %dma_wait3A_159 : memref<1x200x64xf32, #tpu.memory_space<vmem>> -> memref<200x64xf32, #tpu.memory_space<vmem>>
        %dma_wait3A_161 = arith.constant 0 : i32
        %dma_wait3A_162 = arith.constant 0 : i32
        %dma_wait3A_163 = tpu.memref_slice %arg3[%dma_wait3A_161, %dma_wait3A_162] : memref<1000000x64xf32, #tpu.memory_space<hbm>> -> memref<200x64xf32, #tpu.memory_space<hbm>>
        %dma_wait3A_164 = tpu.memref_slice %arg8[%dma_wait3A_156] : memref<2x!tpu.dma_semaphore, #tpu.memory_space<semaphore_mem>> -> memref<1x!tpu.dma_semaphore, #tpu.memory_space<semaphore_mem>>
        %dma_wait3A_165 = tpu.memref_squeeze %dma_wait3A_164 : memref<1x!tpu.dma_semaphore, #tpu.memory_space<semaphore_mem>> -> memref<!tpu.dma_semaphore, #tpu.memory_space<semaphore_mem>>
        %dma_wait3A_166 = arith.constant 0 : i32
        %dma_wait3A_167 = arith.constant 0 : i32
        %dma_wait3A_168 = tpu.memref_slice %arg6[%dma_wait3A_155, %dma_wait3A_166, %dma_wait3A_167] : memref<2x200x64xf32, #tpu.memory_space<vmem>> -> memref<1x200x64xf32, #tpu.memory_space<vmem>>
        %dma_wait3A_169 = tpu.memref_squeeze %dma_wait3A_168 : memref<1x200x64xf32, #tpu.memory_space<vmem>> -> memref<200x64xf32, #tpu.memory_space<vmem>>
        %dma_wait3A_170 = arith.constant 0 : i32
        %dma_wait3A_171 = arith.constant 0 : i32
        %dma_wait3A_172 = tpu.memref_slice %arg3[%dma_wait3A_170, %dma_wait3A_171] : memref<1000000x64xf32, #tpu.memory_space<hbm>> -> memref<200x64xf32, #tpu.memory_space<hbm>>
        tpu.wait_dma2 semaphore(%dma_wait3A_165 : memref<!tpu.dma_semaphore, #tpu.memory_space<semaphore_mem>>) src(%dma_wait3A_172 : memref<200x64xf32, #tpu.memory_space<hbm>>) dst(%dma_wait3A_169 : memref<200x64xf32, #tpu.memory_space<vmem>>)
        %broadcast_in_dim3A_173 = arith.constant 0.000000e+00 : f32
        %broadcast_in_dim3A_174 = vector.broadcast %broadcast_in_dim3A_173 : f32 to vector<16xf32>
        %scan3A_175 = arith.constant 0 : i32
        %scan3A_176 = arith.constant 25 : i32
        %scan3A_177 = arith.addi %scan3A_175, %scan3A_176 : i32
        %scan3A_178 = arith.constant 1 : i32
        %scan3A_179:4 = scf.for %scan3A_225 = %scan3A_175 to %scan3A_177 step %scan3A_178 iter_args(%scan3A_226 = %broadcast_in_dim3A_174, %scan3A_227 = %broadcast_in_dim3A_174, %scan3A_228 = %broadcast_in_dim3A_174, %scan3A_229 = %broadcast_in_dim3A_174) -> (vector<16xf32>, vector<16xf32>, vector<16xf32>, vector<16xf32>)  : i32 {
          %mul3A_230 = arith.constant 8 : i32
          %mul3A_231 = arith.muli %scan3A_225, %mul3A_230 : i32
          %add3A_232 = arith.constant 0 : i32
          %add3A_233 = arith.addi %mul3A_231, %add3A_232 : i32
          %get3A = arith.constant 1 : i32
          %get3A_234 = arith.index_cast %get3A : i32 to index
          %get3A_235 = arith.index_cast %add3A_233 : i32 to index
          %get3A_236 = arith.constant 0 : index
          %get3A_237 = tpu.vector_load %arg6[%get3A_234, %get3A_235, %get3A_236] {strides = array<i32>} : memref<2x200x64xf32, #tpu.memory_space<vmem>>, vector<1x1x16xf32>,
          %get3A_238 = vector.shape_cast %get3A_237 : vector<1x1x16xf32> to vector<16xf32>
          %add3A_239 = arith.addf %scan3A_226, %get3A_238 : vector<16xf32>
          %get3A_240 = arith.constant 1 : i32
          %get3A_241 = arith.index_cast %get3A_240 : i32 to index
          %get3A_242 = arith.index_cast %add3A_233 : i32 to index
          %get3A_243 = arith.constant 16 : index
          %get3A_244 = tpu.vector_load %arg6[%get3A_241, %get3A_242, %get3A_243] {strides = array<i32>} : memref<2x200x64xf32, #tpu.memory_space<vmem>>, vector<1x1x16xf32>,
          %get3A_245 = vector.shape_cast %get3A_244 : vector<1x1x16xf32> to vector<16xf32>
          %add3A_246 = arith.addf %scan3A_227, %get3A_245 : vector<16xf32>
          %get3A_247 = arith.constant 1 : i32
          %get3A_248 = arith.index_cast %get3A_247 : i32 to index
          %get3A_249 = arith.index_cast %add3A_233 : i32 to index
          %get3A_250 = arith.constant 32 : index
          %get3A_251 = tpu.vector_load %arg6[%get3A_248, %get3A_249, %get3A_250] {strides = array<i32>} : memref<2x200x64xf32, #tpu.memory_space<vmem>>, vector<1x1x16xf32>,
          %get3A_252 = vector.shape_cast %get3A_251 : vector<1x1x16xf32> to vector<16xf32>
          %add3A_253 = arith.addf %scan3A_228, %get3A_252 : vector<16xf32>
          %get3A_254 = arith.constant 1 : i32
          %get3A_255 = arith.index_cast %get3A_254 : i32 to index
          %get3A_256 = arith.index_cast %add3A_233 : i32 to index
          %get3A_257 = arith.constant 48 : index
          %get3A_258 = tpu.vector_load %arg6[%get3A_255, %get3A_256, %get3A_257] {strides = array<i32>} : memref<2x200x64xf32, #tpu.memory_space<vmem>>, vector<1x1x16xf32>,
          %get3A_259 = vector.shape_cast %get3A_258 : vector<1x1x16xf32> to vector<16xf32>
          %add3A_260 = arith.addf %scan3A_229, %get3A_259 : vector<16xf32>
          %mul3A_261 = arith.constant 8 : i32
          %mul3A_262 = arith.muli %scan3A_225, %mul3A_261 : i32
          %add3A_263 = arith.constant 1 : i32
          %add3A_264 = arith.addi %mul3A_262, %add3A_263 : i32
          %get3A_265 = arith.constant 1 : i32
          %get3A_266 = arith.index_cast %get3A_265 : i32 to index
          %get3A_267 = arith.index_cast %add3A_264 : i32 to index
          %get3A_268 = arith.constant 0 : index
          %get3A_269 = tpu.vector_load %arg6[%get3A_266, %get3A_267, %get3A_268] {strides = array<i32>} : memref<2x200x64xf32, #tpu.memory_space<vmem>>, vector<1x1x16xf32>,
          %get3A_270 = vector.shape_cast %get3A_269 : vector<1x1x16xf32> to vector<16xf32>
          %add3A_271 = arith.addf %add3A_239, %get3A_270 : vector<16xf32>
          %get3A_272 = arith.constant 1 : i32
          %get3A_273 = arith.index_cast %get3A_272 : i32 to index
          %get3A_274 = arith.index_cast %add3A_264 : i32 to index
          %get3A_275 = arith.constant 16 : index
          %get3A_276 = tpu.vector_load %arg6[%get3A_273, %get3A_274, %get3A_275] {strides = array<i32>} : memref<2x200x64xf32, #tpu.memory_space<vmem>>, vector<1x1x16xf32>,
          %get3A_277 = vector.shape_cast %get3A_276 : vector<1x1x16xf32> to vector<16xf32>
          %add3A_278 = arith.addf %add3A_246, %get3A_277 : vector<16xf32>
          %get3A_279 = arith.constant 1 : i32
          %get3A_280 = arith.index_cast %get3A_279 : i32 to index
          %get3A_281 = arith.index_cast %add3A_264 : i32 to index
          %get3A_282 = arith.constant 32 : index
          %get3A_283 = tpu.vector_load %arg6[%get3A_280, %get3A_281, %get3A_282] {strides = array<i32>} : memref<2x200x64xf32, #tpu.memory_space<vmem>>, vector<1x1x16xf32>,
          %get3A_284 = vector.shape_cast %get3A_283 : vector<1x1x16xf32> to vector<16xf32>
          %add3A_285 = arith.addf %add3A_253, %get3A_284 : vector<16xf32>
          %get3A_286 = arith.constant 1 : i32
          %get3A_287 = arith.index_cast %get3A_286 : i32 to index
          %get3A_288 = arith.index_cast %add3A_264 : i32 to index
          %get3A_289 = arith.constant 48 : index
          %get3A_290 = tpu.vector_load %arg6[%get3A_287, %get3A_288, %get3A_289] {strides = array<i32>} : memref<2x200x64xf32, #tpu.memory_space<vmem>>, vector<1x1x16xf32>,
          %get3A_291 = vector.shape_cast %get3A_290 : vector<1x1x16xf32> to vector<16xf32>
          %add3A_292 = arith.addf %add3A_260, %get3A_291 : vector<16xf32>
          %mul3A_293 = arith.constant 8 : i32
          %mul3A_294 = arith.muli %scan3A_225, %mul3A_293 : i32
          %add3A_295 = arith.constant 2 : i32
          %add3A_296 = arith.addi %mul3A_294, %add3A_295 : i32
          %get3A_297 = arith.constant 1 : i32
          %get3A_298 = arith.index_cast %get3A_297 : i32 to index
          %get3A_299 = arith.index_cast %add3A_296 : i32 to index
          %get3A_300 = arith.constant 0 : index
          %get3A_301 = tpu.vector_load %arg6[%get3A_298, %get3A_299, %get3A_300] {strides = array<i32>} : memref<2x200x64xf32, #tpu.memory_space<vmem>>, vector<1x1x16xf32>,
          %get3A_302 = vector.shape_cast %get3A_301 : vector<1x1x16xf32> to vector<16xf32>
          %add3A_303 = arith.addf %add3A_271, %get3A_302 : vector<16xf32>
          %get3A_304 = arith.constant 1 : i32
          %get3A_305 = arith.index_cast %get3A_304 : i32 to index
          %get3A_306 = arith.index_cast %add3A_296 : i32 to index
          %get3A_307 = arith.constant 16 : index
          %get3A_308 = tpu.vector_load %arg6[%get3A_305, %get3A_306, %get3A_307] {strides = array<i32>} : memref<2x200x64xf32, #tpu.memory_space<vmem>>, vector<1x1x16xf32>,
          %get3A_309 = vector.shape_cast %get3A_308 : vector<1x1x16xf32> to vector<16xf32>
          %add3A_310 = arith.addf %add3A_278, %get3A_309 : vector<16xf32>
          %get3A_311 = arith.constant 1 : i32
          %get3A_312 = arith.index_cast %get3A_311 : i32 to index
          %get3A_313 = arith.index_cast %add3A_296 : i32 to index
          %get3A_314 = arith.constant 32 : index
          %get3A_315 = tpu.vector_load %arg6[%get3A_312, %get3A_313, %get3A_314] {strides = array<i32>} : memref<2x200x64xf32, #tpu.memory_space<vmem>>, vector<1x1x16xf32>,
          %get3A_316 = vector.shape_cast %get3A_315 : vector<1x1x16xf32> to vector<16xf32>
          %add3A_317 = arith.addf %add3A_285, %get3A_316 : vector<16xf32>
          %get3A_318 = arith.constant 1 : i32
          %get3A_319 = arith.index_cast %get3A_318 : i32 to index
          %get3A_320 = arith.index_cast %add3A_296 : i32 to index
          %get3A_321 = arith.constant 48 : index
          %get3A_322 = tpu.vector_load %arg6[%get3A_319, %get3A_320, %get3A_321] {strides = array<i32>} : memref<2x200x64xf32, #tpu.memory_space<vmem>>, vector<1x1x16xf32>,
          %get3A_323 = vector.shape_cast %get3A_322 : vector<1x1x16xf32> to vector<16xf32>
          %add3A_324 = arith.addf %add3A_292, %get3A_323 : vector<16xf32>
          %mul3A_325 = arith.constant 8 : i32
          %mul3A_326 = arith.muli %scan3A_225, %mul3A_325 : i32
          %add3A_327 = arith.constant 3 : i32
          %add3A_328 = arith.addi %mul3A_326, %add3A_327 : i32
          %get3A_329 = arith.constant 1 : i32
          %get3A_330 = arith.index_cast %get3A_329 : i32 to index
          %get3A_331 = arith.index_cast %add3A_328 : i32 to index
          %get3A_332 = arith.constant 0 : index
          %get3A_333 = tpu.vector_load %arg6[%get3A_330, %get3A_331, %get3A_332] {strides = array<i32>} : memref<2x200x64xf32, #tpu.memory_space<vmem>>, vector<1x1x16xf32>,
          %get3A_334 = vector.shape_cast %get3A_333 : vector<1x1x16xf32> to vector<16xf32>
          %add3A_335 = arith.addf %add3A_303, %get3A_334 : vector<16xf32>
          %get3A_336 = arith.constant 1 : i32
          %get3A_337 = arith.index_cast %get3A_336 : i32 to index
          %get3A_338 = arith.index_cast %add3A_328 : i32 to index
          %get3A_339 = arith.constant 16 : index
          %get3A_340 = tpu.vector_load %arg6[%get3A_337, %get3A_338, %get3A_339] {strides = array<i32>} : memref<2x200x64xf32, #tpu.memory_space<vmem>>, vector<1x1x16xf32>,
          %get3A_341 = vector.shape_cast %get3A_340 : vector<1x1x16xf32> to vector<16xf32>
          %add3A_342 = arith.addf %add3A_310, %get3A_341 : vector<16xf32>
          %get3A_343 = arith.constant 1 : i32
          %get3A_344 = arith.index_cast %get3A_343 : i32 to index
          %get3A_345 = arith.index_cast %add3A_328 : i32 to index
          %get3A_346 = arith.constant 32 : index
          %get3A_347 = tpu.vector_load %arg6[%get3A_344, %get3A_345, %get3A_346] {strides = array<i32>} : memref<2x200x64xf32, #tpu.memory_space<vmem>>, vector<1x1x16xf32>,
          %get3A_348 = vector.shape_cast %get3A_347 : vector<1x1x16xf32> to vector<16xf32>
          %add3A_349 = arith.addf %add3A_317, %get3A_348 : vector<16xf32>
          %get3A_350 = arith.constant 1 : i32
          %get3A_351 = arith.index_cast %get3A_350 : i32 to index
          %get3A_352 = arith.index_cast %add3A_328 : i32 to index
          %get3A_353 = arith.constant 48 : index
          %get3A_354 = tpu.vector_load %arg6[%get3A_351, %get3A_352, %get3A_353] {strides = array<i32>} : memref<2x200x64xf32, #tpu.memory_space<vmem>>, vector<1x1x16xf32>,
          %get3A_355 = vector.shape_cast %get3A_354 : vector<1x1x16xf32> to vector<16xf32>
          %add3A_356 = arith.addf %add3A_324, %get3A_355 : vector<16xf32>
          %mul3A_357 = arith.constant 8 : i32
          %mul3A_358 = arith.muli %scan3A_225, %mul3A_357 : i32
          %add3A_359 = arith.constant 4 : i32
          %add3A_360 = arith.addi %mul3A_358, %add3A_359 : i32
          %get3A_361 = arith.constant 1 : i32
          %get3A_362 = arith.index_cast %get3A_361 : i32 to index
          %get3A_363 = arith.index_cast %add3A_360 : i32 to index
          %get3A_364 = arith.constant 0 : index
          %get3A_365 = tpu.vector_load %arg6[%get3A_362, %get3A_363, %get3A_364] {strides = array<i32>} : memref<2x200x64xf32, #tpu.memory_space<vmem>>, vector<1x1x16xf32>,
          %get3A_366 = vector.shape_cast %get3A_365 : vector<1x1x16xf32> to vector<16xf32>
          %add3A_367 = arith.addf %add3A_335, %get3A_366 : vector<16xf32>
          %get3A_368 = arith.constant 1 : i32
          %get3A_369 = arith.index_cast %get3A_368 : i32 to index
          %get3A_370 = arith.index_cast %add3A_360 : i32 to index
          %get3A_371 = arith.constant 16 : index
          %get3A_372 = tpu.vector_load %arg6[%get3A_369, %get3A_370, %get3A_371] {strides = array<i32>} : memref<2x200x64xf32, #tpu.memory_space<vmem>>, vector<1x1x16xf32>,
          %get3A_373 = vector.shape_cast %get3A_372 : vector<1x1x16xf32> to vector<16xf32>
          %add3A_374 = arith.addf %add3A_342, %get3A_373 : vector<16xf32>
          %get3A_375 = arith.constant 1 : i32
          %get3A_376 = arith.index_cast %get3A_375 : i32 to index
          %get3A_377 = arith.index_cast %add3A_360 : i32 to index
          %get3A_378 = arith.constant 32 : index
          %get3A_379 = tpu.vector_load %arg6[%get3A_376, %get3A_377, %get3A_378] {strides = array<i32>} : memref<2x200x64xf32, #tpu.memory_space<vmem>>, vector<1x1x16xf32>,
          %get3A_380 = vector.shape_cast %get3A_379 : vector<1x1x16xf32> to vector<16xf32>
          %add3A_381 = arith.addf %add3A_349, %get3A_380 : vector<16xf32>
          %get3A_382 = arith.constant 1 : i32
          %get3A_383 = arith.index_cast %get3A_382 : i32 to index
          %get3A_384 = arith.index_cast %add3A_360 : i32 to index
          %get3A_385 = arith.constant 48 : index
          %get3A_386 = tpu.vector_load %arg6[%get3A_383, %get3A_384, %get3A_385] {strides = array<i32>} : memref<2x200x64xf32, #tpu.memory_space<vmem>>, vector<1x1x16xf32>,
          %get3A_387 = vector.shape_cast %get3A_386 : vector<1x1x16xf32> to vector<16xf32>
          %add3A_388 = arith.addf %add3A_356, %get3A_387 : vector<16xf32>
          %mul3A_389 = arith.constant 8 : i32
          %mul3A_390 = arith.muli %scan3A_225, %mul3A_389 : i32
          %add3A_391 = arith.constant 5 : i32
          %add3A_392 = arith.addi %mul3A_390, %add3A_391 : i32
          %get3A_393 = arith.constant 1 : i32
          %get3A_394 = arith.index_cast %get3A_393 : i32 to index
          %get3A_395 = arith.index_cast %add3A_392 : i32 to index
          %get3A_396 = arith.constant 0 : index
          %get3A_397 = tpu.vector_load %arg6[%get3A_394, %get3A_395, %get3A_396] {strides = array<i32>} : memref<2x200x64xf32, #tpu.memory_space<vmem>>, vector<1x1x16xf32>,
          %get3A_398 = vector.shape_cast %get3A_397 : vector<1x1x16xf32> to vector<16xf32>
          %add3A_399 = arith.addf %add3A_367, %get3A_398 : vector<16xf32>
          %get3A_400 = arith.constant 1 : i32
          %get3A_401 = arith.index_cast %get3A_400 : i32 to index
          %get3A_402 = arith.index_cast %add3A_392 : i32 to index
          %get3A_403 = arith.constant 16 : index
          %get3A_404 = tpu.vector_load %arg6[%get3A_401, %get3A_402, %get3A_403] {strides = array<i32>} : memref<2x200x64xf32, #tpu.memory_space<vmem>>, vector<1x1x16xf32>,
          %get3A_405 = vector.shape_cast %get3A_404 : vector<1x1x16xf32> to vector<16xf32>
          %add3A_406 = arith.addf %add3A_374, %get3A_405 : vector<16xf32>
          %get3A_407 = arith.constant 1 : i32
          %get3A_408 = arith.index_cast %get3A_407 : i32 to index
          %get3A_409 = arith.index_cast %add3A_392 : i32 to index
          %get3A_410 = arith.constant 32 : index
          %get3A_411 = tpu.vector_load %arg6[%get3A_408, %get3A_409, %get3A_410] {strides = array<i32>} : memref<2x200x64xf32, #tpu.memory_space<vmem>>, vector<1x1x16xf32>,
          %get3A_412 = vector.shape_cast %get3A_411 : vector<1x1x16xf32> to vector<16xf32>
          %add3A_413 = arith.addf %add3A_381, %get3A_412 : vector<16xf32>
          %get3A_414 = arith.constant 1 : i32
          %get3A_415 = arith.index_cast %get3A_414 : i32 to index
          %get3A_416 = arith.index_cast %add3A_392 : i32 to index
          %get3A_417 = arith.constant 48 : index
          %get3A_418 = tpu.vector_load %arg6[%get3A_415, %get3A_416, %get3A_417] {strides = array<i32>} : memref<2x200x64xf32, #tpu.memory_space<vmem>>, vector<1x1x16xf32>,
          %get3A_419 = vector.shape_cast %get3A_418 : vector<1x1x16xf32> to vector<16xf32>
          %add3A_420 = arith.addf %add3A_388, %get3A_419 : vector<16xf32>
          %mul3A_421 = arith.constant 8 : i32
          %mul3A_422 = arith.muli %scan3A_225, %mul3A_421 : i32
          %add3A_423 = arith.constant 6 : i32
          %add3A_424 = arith.addi %mul3A_422, %add3A_423 : i32
          %get3A_425 = arith.constant 1 : i32
          %get3A_426 = arith.index_cast %get3A_425 : i32 to index
          %get3A_427 = arith.index_cast %add3A_424 : i32 to index
          %get3A_428 = arith.constant 0 : index
          %get3A_429 = tpu.vector_load %arg6[%get3A_426, %get3A_427, %get3A_428] {strides = array<i32>} : memref<2x200x64xf32, #tpu.memory_space<vmem>>, vector<1x1x16xf32>,
          %get3A_430 = vector.shape_cast %get3A_429 : vector<1x1x16xf32> to vector<16xf32>
          %add3A_431 = arith.addf %add3A_399, %get3A_430 : vector<16xf32>
          %get3A_432 = arith.constant 1 : i32
          %get3A_433 = arith.index_cast %get3A_432 : i32 to index
          %get3A_434 = arith.index_cast %add3A_424 : i32 to index
          %get3A_435 = arith.constant 16 : index
          %get3A_436 = tpu.vector_load %arg6[%get3A_433, %get3A_434, %get3A_435] {strides = array<i32>} : memref<2x200x64xf32, #tpu.memory_space<vmem>>, vector<1x1x16xf32>,
          %get3A_437 = vector.shape_cast %get3A_436 : vector<1x1x16xf32> to vector<16xf32>
          %add3A_438 = arith.addf %add3A_406, %get3A_437 : vector<16xf32>
          %get3A_439 = arith.constant 1 : i32
          %get3A_440 = arith.index_cast %get3A_439 : i32 to index
          %get3A_441 = arith.index_cast %add3A_424 : i32 to index
          %get3A_442 = arith.constant 32 : index
          %get3A_443 = tpu.vector_load %arg6[%get3A_440, %get3A_441, %get3A_442] {strides = array<i32>} : memref<2x200x64xf32, #tpu.memory_space<vmem>>, vector<1x1x16xf32>,
          %get3A_444 = vector.shape_cast %get3A_443 : vector<1x1x16xf32> to vector<16xf32>
          %add3A_445 = arith.addf %add3A_413, %get3A_444 : vector<16xf32>
          %get3A_446 = arith.constant 1 : i32
          %get3A_447 = arith.index_cast %get3A_446 : i32 to index
          %get3A_448 = arith.index_cast %add3A_424 : i32 to index
          %get3A_449 = arith.constant 48 : index
          %get3A_450 = tpu.vector_load %arg6[%get3A_447, %get3A_448, %get3A_449] {strides = array<i32>} : memref<2x200x64xf32, #tpu.memory_space<vmem>>, vector<1x1x16xf32>,
          %get3A_451 = vector.shape_cast %get3A_450 : vector<1x1x16xf32> to vector<16xf32>
          %add3A_452 = arith.addf %add3A_420, %get3A_451 : vector<16xf32>
          %mul3A_453 = arith.constant 8 : i32
          %mul3A_454 = arith.muli %scan3A_225, %mul3A_453 : i32
          %add3A_455 = arith.constant 7 : i32
          %add3A_456 = arith.addi %mul3A_454, %add3A_455 : i32
          %get3A_457 = arith.constant 1 : i32
          %get3A_458 = arith.index_cast %get3A_457 : i32 to index
          %get3A_459 = arith.index_cast %add3A_456 : i32 to index
          %get3A_460 = arith.constant 0 : index
          %get3A_461 = tpu.vector_load %arg6[%get3A_458, %get3A_459, %get3A_460] {strides = array<i32>} : memref<2x200x64xf32, #tpu.memory_space<vmem>>, vector<1x1x16xf32>,
          %get3A_462 = vector.shape_cast %get3A_461 : vector<1x1x16xf32> to vector<16xf32>
          %add3A_463 = arith.addf %add3A_431, %get3A_462 : vector<16xf32>
          %get3A_464 = arith.constant 1 : i32
          %get3A_465 = arith.index_cast %get3A_464 : i32 to index
          %get3A_466 = arith.index_cast %add3A_456 : i32 to index
          %get3A_467 = arith.constant 16 : index
          %get3A_468 = tpu.vector_load %arg6[%get3A_465, %get3A_466, %get3A_467] {strides = array<i32>} : memref<2x200x64xf32, #tpu.memory_space<vmem>>, vector<1x1x16xf32>,
          %get3A_469 = vector.shape_cast %get3A_468 : vector<1x1x16xf32> to vector<16xf32>
          %add3A_470 = arith.addf %add3A_438, %get3A_469 : vector<16xf32>
          %get3A_471 = arith.constant 1 : i32
          %get3A_472 = arith.index_cast %get3A_471 : i32 to index
          %get3A_473 = arith.index_cast %add3A_456 : i32 to index
          %get3A_474 = arith.constant 32 : index
          %get3A_475 = tpu.vector_load %arg6[%get3A_472, %get3A_473, %get3A_474] {strides = array<i32>} : memref<2x200x64xf32, #tpu.memory_space<vmem>>, vector<1x1x16xf32>,
          %get3A_476 = vector.shape_cast %get3A_475 : vector<1x1x16xf32> to vector<16xf32>
          %add3A_477 = arith.addf %add3A_445, %get3A_476 : vector<16xf32>
          %get3A_478 = arith.constant 1 : i32
          %get3A_479 = arith.index_cast %get3A_478 : i32 to index
          %get3A_480 = arith.index_cast %add3A_456 : i32 to index
          %get3A_481 = arith.constant 48 : index
          %get3A_482 = tpu.vector_load %arg6[%get3A_479, %get3A_480, %get3A_481] {strides = array<i32>} : memref<2x200x64xf32, #tpu.memory_space<vmem>>, vector<1x1x16xf32>,
          %get3A_483 = vector.shape_cast %get3A_482 : vector<1x1x16xf32> to vector<16xf32>
          %add3A_484 = arith.addf %add3A_452, %get3A_483 : vector<16xf32>
          scf.yield %add3A_463, %add3A_470, %add3A_477, %add3A_484 : vector<16xf32>, vector<16xf32>, vector<16xf32>, vector<16xf32>
        }
        %scan3A_180 = arith.constant 25 : i32
        %mul3A_181 = arith.constant 64 : i32
        %mul3A_182 = arith.muli %add3A_154, %mul3A_181 : i32
        %add3A_183 = arith.constant 0 : i32
        %add3A_184 = arith.addi %mul3A_182, %add3A_183 : i32
        %multiple_of3A_185 = tpu.assume_multiple %add3A_184, 8 : i32
        %swap3A_186 = arith.index_cast %multiple_of3A_185 : i32 to index
        %swap3A_187 = tpu.vector_load %arg7[%swap3A_186] {strides = array<i32>} : memref<2048xf32, #tpu.memory_space<vmem>>, vector<16xf32>,
        %swap3A_188 = vector.shape_cast %swap3A_187 : vector<16xf32> to vector<16xf32>
        %swap3A_189 = vector.shape_cast %scan3A_179#0 : vector<16xf32> to vector<16xf32>
        tpu.vector_store %arg7[%swap3A_186], %swap3A_189 {strides = array<i32>} : memref<2048xf32, #tpu.memory_space<vmem>>, vector<16xf32>,
        %mul3A_190 = arith.constant 64 : i32
        %mul3A_191 = arith.muli %add3A_154, %mul3A_190 : i32
        %add3A_192 = arith.constant 16 : i32
        %add3A_193 = arith.addi %mul3A_191, %add3A_192 : i32
        %multiple_of3A_194 = tpu.assume_multiple %add3A_193, 8 : i32
        %swap3A_195 = arith.index_cast %multiple_of3A_194 : i32 to index
        %swap3A_196 = tpu.vector_load %arg7[%swap3A_195] {strides = array<i32>} : memref<2048xf32, #tpu.memory_space<vmem>>, vector<16xf32>,
        %swap3A_197 = vector.shape_cast %swap3A_196 : vector<16xf32> to vector<16xf32>
        %swap3A_198 = vector.shape_cast %scan3A_179#1 : vector<16xf32> to vector<16xf32>
        tpu.vector_store %arg7[%swap3A_195], %swap3A_198 {strides = array<i32>} : memref<2048xf32, #tpu.memory_space<vmem>>, vector<16xf32>,
        %mul3A_199 = arith.constant 64 : i32
        %mul3A_200 = arith.muli %add3A_154, %mul3A_199 : i32
        %add3A_201 = arith.constant 32 : i32
        %add3A_202 = arith.addi %mul3A_200, %add3A_201 : i32
        %multiple_of3A_203 = tpu.assume_multiple %add3A_202, 8 : i32
        %swap3A_204 = arith.index_cast %multiple_of3A_203 : i32 to index
        %swap3A_205 = tpu.vector_load %arg7[%swap3A_204] {strides = array<i32>} : memref<2048xf32, #tpu.memory_space<vmem>>, vector<16xf32>,
        %swap3A_206 = vector.shape_cast %swap3A_205 : vector<16xf32> to vector<16xf32>
        %swap3A_207 = vector.shape_cast %scan3A_179#2 : vector<16xf32> to vector<16xf32>
        tpu.vector_store %arg7[%swap3A_204], %swap3A_207 {strides = array<i32>} : memref<2048xf32, #tpu.memory_space<vmem>>, vector<16xf32>,
        %mul3A_208 = arith.constant 64 : i32
        %mul3A_209 = arith.muli %add3A_154, %mul3A_208 : i32
        %add3A_210 = arith.constant 48 : i32
        %add3A_211 = arith.addi %mul3A_209, %add3A_210 : i32
        %multiple_of3A_212 = tpu.assume_multiple %add3A_211, 8 : i32
        %swap3A_213 = arith.index_cast %multiple_of3A_212 : i32 to index
        %swap3A_214 = tpu.vector_load %arg7[%swap3A_213] {strides = array<i32>} : memref<2048xf32, #tpu.memory_space<vmem>>, vector<16xf32>,
        %swap3A_215 = vector.shape_cast %swap3A_214 : vector<16xf32> to vector<16xf32>
        %swap3A_216 = vector.shape_cast %scan3A_179#3 : vector<16xf32> to vector<16xf32>
        tpu.vector_store %arg7[%swap3A_213], %swap3A_216 {strides = array<i32>} : memref<2048xf32, #tpu.memory_space<vmem>>, vector<16xf32>,
        %add3A_217 = arith.constant 2 : i32
        %add3A_218 = arith.addi %add3A_154, %add3A_217 : i32
        %lt3A_219 = arith.constant 32 : i32
        %lt3A_220 = arith.cmpi slt, %add3A_218, %lt3A_219 : i32
        %convert_element_type3A_221 = arith.extui %lt3A_220 : i1 to i32
        %cond3A_222 = arith.constant 0 : i32
        %cond3A_223 = arith.cmpi ne, %convert_element_type3A_221, %cond3A_222 : i32
        scf.if %cond3A_223 {
          %add3A_225 = arith.constant 2 : i32
          %add3A_226 = arith.addi %add3A_154, %add3A_225 : i32
          %mul3A_227 = arith.constant 200 : i32
          %mul3A_228 = arith.muli %add3A_226, %mul3A_227 : i32
          %multiple_of3A_229 = tpu.assume_multiple %mul3A_228, 8 : i32
          %mul3A_230 = arith.constant 200 : i32
          %mul3A_231 = arith.muli %add3A_226, %mul3A_230 : i32
          %add3A_232 = arith.constant 104 : i32
          %add3A_233 = arith.addi %mul3A_231, %add3A_232 : i32
          %multiple_of3A_234 = tpu.assume_multiple %add3A_233, 8 : i32
          %dma_start3A_235 = arith.constant 1 : i32
          %dma_start3A_236 = arith.constant 1 : i32
          %dma_start3A_237 = arith.constant 0 : i32
          %dma_start3A_238 = arith.constant 0 : i32
          %dma_start3A_239 = tpu.memref_slice %arg6[%dma_start3A_235, %dma_start3A_237, %dma_start3A_238] : memref<2x200x64xf32, #tpu.memory_space<vmem>> -> memref<1x104x64xf32, #tpu.memory_space<vmem>>
          %dma_start3A_240 = tpu.memref_squeeze %dma_start3A_239 : memref<1x104x64xf32, #tpu.memory_space<vmem>> -> memref<104x64xf32, #tpu.memory_space<vmem>>
          %dma_start3A_241 = tpu.memref_slice %arg5[%multiple_of3A_229] : memref<6400xi32, #tpu.memory_space<vmem>> -> memref<104xi32, #tpu.memory_space<vmem>>
          %dma_start3A_242 = arith.constant 0 : i32
          %dma_start3A_243 = arith.constant 0 : i32
          %dma_start3A_244 = tpu.memref_slice %arg3[%dma_start3A_242, %dma_start3A_243] : memref<1000000x64xf32, #tpu.memory_space<hbm>> -> memref<1000000x64xf32, #tpu.memory_space<hbm>>
          %dma_start3A_245 = tpu.memref_slice %arg8[%dma_start3A_236] : memref<2x!tpu.dma_semaphore, #tpu.memory_space<semaphore_mem>> -> memref<1x!tpu.dma_semaphore, #tpu.memory_space<semaphore_mem>>
          %dma_start3A_246 = tpu.memref_squeeze %dma_start3A_245 : memref<1x!tpu.dma_semaphore, #tpu.memory_space<semaphore_mem>> -> memref<!tpu.dma_semaphore, #tpu.memory_space<semaphore_mem>>
          tpu.enqueue_indirect_dma source(%dma_start3A_244 : memref<1000000x64xf32, #tpu.memory_space<hbm>>) target(%dma_start3A_240 : memref<104x64xf32, #tpu.memory_space<vmem>>) offsets(%dma_start3A_241 : memref<104xi32, #tpu.memory_space<vmem>>) semaphore(%dma_start3A_246 : memref<!tpu.dma_semaphore, #tpu.memory_space<semaphore_mem>>)
          %dma_start3A_247 = arith.constant 1 : i32
          %dma_start3A_248 = arith.constant 1 : i32
          %dma_start3A_249 = arith.constant 104 : i32
          %dma_start3A_250 = arith.constant 0 : i32
          %dma_start3A_251 = tpu.memref_slice %arg6[%dma_start3A_247, %dma_start3A_249, %dma_start3A_250] : memref<2x200x64xf32, #tpu.memory_space<vmem>> -> memref<1x96x64xf32, #tpu.memory_space<vmem>>
          %dma_start3A_252 = tpu.memref_squeeze %dma_start3A_251 : memref<1x96x64xf32, #tpu.memory_space<vmem>> -> memref<96x64xf32, #tpu.memory_space<vmem>>
          %dma_start3A_253 = tpu.memref_slice %arg5[%multiple_of3A_234] : memref<6400xi32, #tpu.memory_space<vmem>> -> memref<96xi32, #tpu.memory_space<vmem>>
          %dma_start3A_254 = arith.constant 0 : i32
          %dma_start3A_255 = arith.constant 0 : i32
          %dma_start3A_256 = tpu.memref_slice %arg3[%dma_start3A_254, %dma_start3A_255] : memref<1000000x64xf32, #tpu.memory_space<hbm>> -> memref<1000000x64xf32, #tpu.memory_space<hbm>>
          %dma_start3A_257 = tpu.memref_slice %arg8[%dma_start3A_248] : memref<2x!tpu.dma_semaphore, #tpu.memory_space<semaphore_mem>> -> memref<1x!tpu.dma_semaphore, #tpu.memory_space<semaphore_mem>>
          %dma_start3A_258 = tpu.memref_squeeze %dma_start3A_257 : memref<1x!tpu.dma_semaphore, #tpu.memory_space<semaphore_mem>> -> memref<!tpu.dma_semaphore, #tpu.memory_space<semaphore_mem>>
          tpu.enqueue_indirect_dma source(%dma_start3A_256 : memref<1000000x64xf32, #tpu.memory_space<hbm>>) target(%dma_start3A_252 : memref<96x64xf32, #tpu.memory_space<vmem>>) offsets(%dma_start3A_253 : memref<96xi32, #tpu.memory_space<vmem>>) semaphore(%dma_start3A_258 : memref<!tpu.dma_semaphore, #tpu.memory_space<semaphore_mem>>)
        } else {
        }
        %scan3A_224 = arith.constant 0 : i32
        scf.yield %scan3A_224 : i32
      }
      %scan3A_77 = arith.constant 16 : i32
      %mul3A_78 = arith.constant 64 : i32
      %mul3A_79 = arith.muli %add3A_13, %mul3A_78 : i32
      %multiple_of3A_80 = tpu.assume_multiple %mul3A_79, 8 : i32
      "tpu.region"() ({
        %run_scoped3A = tpu.sem_alloc : memref<!tpu.dma_semaphore, #tpu.memory_space<semaphore_mem>>
        %dma_start3A_82 = tpu.memref_slice %arg4[%multiple_of3A_80] : memref<1048576xf32, #tpu.memory_space<hbm>> -> memref<2048xf32, #tpu.memory_space<hbm>>
        %dma_start3A_83 = tpu.memref_slice %arg4[%multiple_of3A_80] : memref<1048576xf32, #tpu.memory_space<hbm>> -> memref<2048xf32, #tpu.memory_space<hbm>>
        tpu.enqueue_dma source(%arg7 : memref<2048xf32, #tpu.memory_space<vmem>>) target(%dma_start3A_83 : memref<2048xf32, #tpu.memory_space<hbm>>) target_semaphore(%run_scoped3A : memref<!tpu.dma_semaphore, #tpu.memory_space<semaphore_mem>>)
        %dma_wait3A = tpu.memref_slice %arg4[%multiple_of3A_80] : memref<1048576xf32, #tpu.memory_space<hbm>> -> memref<2048xf32, #tpu.memory_space<hbm>>
        %dma_wait3A_84 = tpu.memref_slice %arg4[%multiple_of3A_80] : memref<1048576xf32, #tpu.memory_space<hbm>> -> memref<2048xf32, #tpu.memory_space<hbm>>
        tpu.wait_dma2 semaphore(%run_scoped3A : memref<!tpu.dma_semaphore, #tpu.memory_space<semaphore_mem>>) src(%arg7 : memref<2048xf32, #tpu.memory_space<vmem>>) dst(%dma_wait3A_84 : memref<2048xf32, #tpu.memory_space<hbm>>)
        tpu.yield
      }) : () -> ()
      %scan3A_81 = arith.constant 0 : i32
      scf.yield %scan3A_81 : i32
    }
    %scan3A_6 = arith.constant 16 : i32
    return
  }
}

module attributes {stable_mosaic.version = 14 : i64} {
  func.func @_mlp_body(%arg0: i32, %arg1: memref<1024x64xf32, #tpu.memory_space<vmem>>, %arg2: memref<64x128xf32, #tpu.memory_space<vmem>>, %arg3: memref<1x128xf32, #tpu.memory_space<vmem>>, %arg4: memref<128x16xf32, #tpu.memory_space<vmem>>, %arg5: memref<1x16xf32, #tpu.memory_space<vmem>>, %arg6: memref<1024x16xf32, #tpu.memory_space<vmem>>) attributes {dimension_semantics = [#tpu.dimension_semantics<arbitrary>], iteration_bounds = array<i64: 16>, scalar_prefetch = 0 : i64, scratch_operands = 0 : i64, tpu.core_type = #tpu.core_type<tc>, window_params = [{transform_indices = @transform_0, window_bounds = array<i64: 1024, 64>}, {pipeline_mode = #tpu.pipeline_mode<synchronous>, transform_indices = @transform_1, window_bounds = array<i64: 64, 128>}, {pipeline_mode = #tpu.pipeline_mode<synchronous>, transform_indices = @transform_2, window_bounds = array<i64: 1, 128>}, {pipeline_mode = #tpu.pipeline_mode<synchronous>, transform_indices = @transform_3, window_bounds = array<i64: 128, 16>}, {pipeline_mode = #tpu.pipeline_mode<synchronous>, transform_indices = @transform_4, window_bounds = array<i64: 1, 16>}, {transform_indices = @transform_5, window_bounds = array<i64: 1024, 16>}]} {
    %get3A = arith.constant 0 : index
    %get3A_0 = arith.constant 0 : index
    %get3A_1 = vector.load %arg1[%get3A, %get3A_0] : memref<1024x64xf32, #tpu.memory_space<vmem>>, vector<1024x64xf32>
    %mul3A = arith.constant 5.000000e-03 : f32
    %mul3A_2 = vector.broadcast %mul3A : f32 to vector<1024x64xf32>
    %mul3A_3 = arith.mulf %get3A_1, %mul3A_2 : vector<1024x64xf32>
    %get3A_4 = arith.constant 0 : index
    %get3A_5 = arith.constant 0 : index
    %get3A_6 = vector.load %arg2[%get3A_4, %get3A_5] : memref<64x128xf32, #tpu.memory_space<vmem>>, vector<64x128xf32>
    %dot_general3A = arith.constant dense<0.000000e+00> : vector<1024x128xf32>
    %dot_general3A_7 = tpu.matmul %mul3A_3, %get3A_6, %dot_general3A {dimension_numbers = #tpu.dot_dimension_numbers<[1], [0], [0], [1], [0, 0, 1, 1], [], []>, transpose_lhs_hint = false} : vector<1024x64xf32>, vector<64x128xf32>, vector<1024x128xf32> -> vector<1024x128xf32>
    %get3A_8 = arith.constant 0 : index
    %get3A_9 = arith.constant 0 : index
    %get3A_10 = vector.load %arg3[%get3A_8, %get3A_9] : memref<1x128xf32, #tpu.memory_space<vmem>>, vector<1x128xf32>
    %add3A = vector.broadcast %get3A_10 : vector<1x128xf32> to vector<1024x128xf32>
    %add3A_11 = arith.addf %dot_general3A_7, %add3A : vector<1024x128xf32>
    %max3A = arith.constant 0.000000e+00 : f32
    %max3A_12 = vector.broadcast %max3A : f32 to vector<1024x128xf32>
    %max3A_13 = arith.maximumf %add3A_11, %max3A_12 : vector<1024x128xf32>
    %get3A_14 = arith.constant 0 : index
    %get3A_15 = arith.constant 0 : index
    %get3A_16 = vector.load %arg4[%get3A_14, %get3A_15] : memref<128x16xf32, #tpu.memory_space<vmem>>, vector<128x16xf32>
    %dot_general3A_17 = arith.constant dense<0.000000e+00> : vector<1024x16xf32>
    %dot_general3A_18 = tpu.matmul %max3A_13, %get3A_16, %dot_general3A_17 {dimension_numbers = #tpu.dot_dimension_numbers<[1], [0], [0], [1], [0, 0, 1, 1], [], []>, transpose_lhs_hint = false} : vector<1024x128xf32>, vector<128x16xf32>, vector<1024x16xf32> -> vector<1024x16xf32>
    %get3A_19 = arith.constant 0 : index
    %get3A_20 = arith.constant 0 : index
    %get3A_21 = vector.load %arg5[%get3A_19, %get3A_20] : memref<1x16xf32, #tpu.memory_space<vmem>>, vector<1x16xf32>
    %add3A_22 = vector.broadcast %get3A_21 : vector<1x16xf32> to vector<1024x16xf32>
    %add3A_23 = arith.addf %dot_general3A_18, %add3A_22 : vector<1024x16xf32>
    %swap3A = arith.constant 0 : index
    %swap3A_24 = arith.constant 0 : index
    %swap3A_25 = vector.load %arg6[%swap3A, %swap3A_24] : memref<1024x16xf32, #tpu.memory_space<vmem>>, vector<1024x16xf32>
    tpu.vector_store %arg6[%swap3A, %swap3A_24], %add3A_23 {strides = array<i32>} : memref<1024x16xf32, #tpu.memory_space<vmem>>, vector<1024x16xf32>,
    return
  }
  func.func @transform_0(%arg0: i32) -> (i32, i32) {
    %c0_i32 = arith.constant 0 : i32
    %c0_i32_0 = arith.constant 0 : i32
    return %arg0, %c0_i32 : i32, i32
  }
  func.func @transform_1(%arg0: i32) -> (i32, i32) {
    %c0_i32 = arith.constant 0 : i32
    %c0_i32_0 = arith.constant 0 : i32
    %c0_i32_1 = arith.constant 0 : i32
    return %c0_i32, %c0_i32_0 : i32, i32
  }
  func.func @transform_2(%arg0: i32) -> (i32, i32) {
    %c0_i32 = arith.constant 0 : i32
    %c0_i32_0 = arith.constant 0 : i32
    %c0_i32_1 = arith.constant 0 : i32
    return %c0_i32, %c0_i32_0 : i32, i32
  }
  func.func @transform_3(%arg0: i32) -> (i32, i32) {
    %c0_i32 = arith.constant 0 : i32
    %c0_i32_0 = arith.constant 0 : i32
    %c0_i32_1 = arith.constant 0 : i32
    return %c0_i32, %c0_i32_0 : i32, i32
  }
  func.func @transform_4(%arg0: i32) -> (i32, i32) {
    %c0_i32 = arith.constant 0 : i32
    %c0_i32_0 = arith.constant 0 : i32
    %c0_i32_1 = arith.constant 0 : i32
    return %c0_i32, %c0_i32_0 : i32, i32
  }
  func.func @transform_5(%arg0: i32) -> (i32, i32) {
    %c0_i32 = arith.constant 0 : i32
    %c0_i32_0 = arith.constant 0 : i32
    return %arg0, %c0_i32 : i32, i32
  }
}

</mosaic_0001>

<sc_bundles>
// kernel: kernel.4.cloned.1.call-start
scs
__scs_entry_jumppad:
0x0: {  	(pc) =	sbr.rel $0x88, $3  }
0x1: {  	(tag) =	ssettag $0x0;
	lr =	simm.s32 $0x1  }
0x2: {  	[smem:$0x3F9B] =	sst lr;
	_ =	strace $0xD0000000  }
0x3: {  	_ = 	snop  }
0x4: {  	_ = 	snop  }
0x5: {  	_ = 	snop  }
0x6: {  	_ = 	snop  }
0x7: {  	_ = 	snop  }
__scs_overlays_trampoline_lowered:
0x8: {  	[smem:$0x3FAA] =	sst s0  }
0x9: {  	[smem:$0x3FAB] =	sst s1  }
0xa: {  	[smem:$0x3FAC] =	sst s2  }
0xb: {  	[smem:$0x3FAD] =	sst s3  }
0xc: {  	[smem:$0x3FAE] =	sst s4  }
0xd: {  	[smem:$0x3FAF] =	sst s5  }
0xe: {  	[smem:$0x3FB0] =	sst s6  }
0xf: {  	[smem:$0x3FB1] =	sst s7  }
0x10: {  	[smem:$0x3FB2] =	sst s8  }
0x11: {  	[smem:$0x3FB3] =	sst s9;
	s0 =	simm.s32 @!p0 $0x0  }
0x12: {  	s1 =	sld [smem:$0x3F99];
	s0 =	simm.s32 @p0 $0x1  }
0x13: {  	[smem:$0x3FB4] =	sst s0;
	s0 =	simm.s32 @!p1 $0x0  }
0x14: {  	s2 =	sld [smem:$0x3F98];
	s0 =	simm.s32 @p1 $0x1  }
0x15: {  	[smem:$0x3FB5] =	sst s0;
	s0 =	simm.s32 @!p2 $0x0  }
0x16: {  	s3 =	sld [smem:$0x3FDB];
	s0 =	simm.s32 @p2 $0x1  }
0x17: {  	s4 =	simm.s32 $0x1BF5;
	[smem:$0x3FB7] =	sst s0  }
0x18: {  	s0 =	sld [smem:$0x3F9A];
	_ =	swait.ge [sflag:s4], $0x0  }
0x19: {  	s7 =	sld [smem:$0x3F9B]  }
0x1a: {  	s8 =	sadd.s32 $0xFFFFE003, lr  }
0x1b: {  	s9 =	sadd.s32 $0xFFFFFEF7, lr;
	s5 =	simm.s32 $0xFFFFFFFF;
	p2 =	slt.u32 s8, $0xFFFFF086  }
0x1c: {  	p1 =	slt.u32 s9, $0xF7A;
	s5 =	simm.s32 @!p2 $0x0  }
0x1d: {  	s5 =	simm.s32 @p1 $0x1;
	p0 =	seq.s32 s7, s2  }
0x1e: {  	s7 =	smul.u32 @!p0 $0xF7A, s2;
	p2 =	seq.s32 @!p0 s5, $0x0  }
0x1f: {  	s9 =	smul.u32 $0xF7A, s1;
	s8 =	simm.s32 @!p0 $0x1BF5;
	p2 =	por !p2, p0  }
0x20: {  	[sflag:s8] =	ssyncset.s32 @!p0 $0xFFFFF086;
	s6 =	sadd.s32 @!p0 s3, s7;
	s7 =	simm.s32 @!p0 $0x108  }
0x21: {  	s3 =	sadd.s32 s3, s9;
	s6 =	sadd.s32 @!p0 $0x88, s6;
	s7 =	simm.s32 @p2 $0x1082  }
0x22: {  	[simem:s7], [sflag:s8] =	dma.local @!p0 [hbm:s6], $0xF7A  }
0x23: {  	s9 =	sor.u32 $0xD0000000, s2;
	s6 =	simm.s32 $0x108;
	_ =	swait.ge @!p0 [sflag:s8], $0x0  }
0x24: {  	s3 =	sadd.s32 $0x88, s3;
	s6 =	simm.s32 @!p1 $0x1082;
	[sflag:s4] =	ssyncset.s32 $0xFFFFF086  }
0x25: {  	[simem:s6], [sflag:s4] =	dma.local [hbm:s3], $0xF7A  }
0x26: {  	[smem:$0x3F9B] =	sst s1;
	(tag) =	ssettag s2;
	_ =	strace s9  }
0x27: {  	s1 =	sld [smem:$0x3FAB]  }
0x28: {  	s2 =	sld [smem:$0x3FAC]  }
0x29: {  	s4 =	sld [smem:$0x3FAE]  }
0x2a: {  	p0 =	seq.s32 s5, $0x0;
	s5 =	sld [smem:$0x3FAF]  }
0x2b: {  	s6 =	sld [smem:$0x3FB0]  }
0x2c: {  	s7 =	sld [smem:$0x3FB1]  }
0x2d: {  	s3 =	simm.s32 $0x108;
	s8 =	sld [smem:$0x3FB2]  }
0x2e: {  	s3 =	simm.s32 @!p0 $0x1082;
	s9 =	sld [smem:$0x3FB3]  }
0x2f: {  	lr =	sadd.s32 s0, s3;
	s0 =	sld [smem:$0x3FAA]  }
0x30: {  	s3 =	sld [smem:$0x3FAD]  }
0x31: {  	[smem:$0x3FB6] =	sst s10  }
0x32: {  	s10 =	sld [smem:$0x3FB4];
	_ =	sdelay $0x3  }
0x33: {  	p0 =	seq.s32 s10, $0x1;
	s10 =	sld [smem:$0x3FB6];
	_ =	sdelay $0x3  }
0x34: {  	[smem:$0x3FB6] =	sst s10  }
0x35: {  	s10 =	sld [smem:$0x3FB5];
	_ =	sdelay $0x3  }
0x36: {  	p1 =	seq.s32 s10, $0x1;
	s10 =	sld [smem:$0x3FB6];
	_ =	sdelay $0x3  }
0x37: {  	[smem:$0x3FB6] =	sst s10  }
0x38: {  	s10 =	sld [smem:$0x3FB7]  }
0x39: {  	_ = 	snop;
	(pc) =	sbr.ind lr, $3  }
0x3a: {  	_ = 	snop  }
0x3b: {  	_ = 	snop  }
0x3c: {  	p2 =	seq.s32 s10, $0x1;
	s10 =	sld [smem:$0x3FB6]  }
0x3d: {  	_ =	shalt  }
0x3e: {  	_ =	shalt  }
0x3f: {  	_ =	shalt  }
0x40: {  	_ =	shalt  }
0x41: {  	_ =	shalt  }
0x42: {  	_ =	shalt  }
0x43: {  	_ =	shalt  }
0x44: {  	_ =	shalt  }
0x45: {  	_ =	shalt  }
0x46: {  	_ =	shalt  }
0x47: {  	_ =	shalt  }
0x48: {  	_ =	shalt  }
0x49: {  	_ =	shalt  }
0x4a: {  	_ =	shalt  }
0x4b: {  	_ =	shalt  }
0x4c: {  	_ =	shalt  }
0x4d: {  	_ =	shalt  }
0x4e: {  	_ =	shalt  }
0x4f: {  	_ =	shalt  }
0x50: {  	_ =	shalt  }
0x51: {  	_ =	shalt  }
0x52: {  	_ =	shalt  }
0x53: {  	_ =	shalt  }
0x54: {  	_ =	shalt  }
0x55: {  	_ =	shalt  }
0x56: {  	_ =	shalt  }
0x57: {  	_ =	shalt  }
0x58: {  	_ =	shalt  }
0x59: {  	_ =	shalt  }
0x5a: {  	_ =	shalt  }
0x5b: {  	_ =	shalt  }
0x5c: {  	_ =	shalt  }
0x5d: {  	_ =	shalt  }
0x5e: {  	_ =	shalt  }
0x5f: {  	_ =	shalt  }
0x60: {  	_ =	shalt  }
0x61: {  	_ =	shalt  }
0x62: {  	_ =	shalt  }
0x63: {  	_ =	shalt  }
0x64: {  	_ =	shalt  }
0x65: {  	_ =	shalt  }
0x66: {  	_ =	shalt  }
0x67: {  	_ =	shalt  }
0x68: {  	_ =	shalt  }
0x69: {  	_ =	shalt  }
0x6a: {  	_ =	shalt  }
0x6b: {  	_ =	shalt  }
0x6c: {  	_ =	shalt  }
0x6d: {  	_ =	shalt  }
0x6e: {  	_ =	shalt  }
0x6f: {  	_ =	shalt  }
0x70: {  	_ =	shalt  }
0x71: {  	_ =	shalt  }
0x72: {  	_ =	shalt  }
0x73: {  	_ =	shalt  }
0x74: {  	_ =	shalt  }
0x75: {  	_ =	shalt  }
0x76: {  	_ =	shalt  }
0x77: {  	_ =	shalt  }
0x78: {  	_ =	shalt  }
0x79: {  	_ =	shalt  }
0x7a: {  	_ =	shalt  }
0x7b: {  	_ =	shalt  }
0x7c: {  	_ =	shalt  }
0x7d: {  	_ =	shalt  }
0x7e: {  	_ =	shalt  }
0x7f: {  	_ =	shalt  }
0x80: {  	_ =	shalt  }
0x81: {  	_ =	shalt  }
0x82: {  	_ =	shalt  }
0x83: {  	_ =	shalt  }
0x84: {  	_ =	shalt  }
0x85: {  	_ =	shalt  }
0x86: {  	_ =	shalt  }
0x87: {  	_ =	shalt  }
.Lfunc_end0:
.L_simem_size_0:
called_computation_lowered:
.L_overlay_start_0:
0x88: {  	s2 =	sld [smem:$0x3FD9]  }
0x89: {  	s3 =	sld [smem:$0x3FFE];
	_ =	sdelay $0x1  }
0x8a: {  	s1 =	srdreg.scid  }
0x8b: {  	s0 =	sand.u32 $0x1, s1  }
0x8c: {  	s16 =	sshll.u32 s0, $0xA;
	s2 =	sadd.s32 s3, s2  }
0x8d: {  	s2 =	sadd.s32 s2, s16  }
0x8e: {  	[smem:$0x3FC2] =	sst s2  }
0x8f: {  	_ = 	snop  }
0x90: {  	(tm) =	ssettm $0x1  }
0x91: {  	s17 =	sld [smem:$0x3FFB];
	_ =	sdelay $0x3  }
0x92: {  	_ =	strace s17  }
0x93: {  	s2 =	sld [smem:$0x3FFC];
	_ =	sdelay $0x3  }
0x94: {  	_ =	strace s2  }
0x95: {  	s2 =	sld [smem:$0x3FFD];
	_ =	sdelay $0x3  }
0x96: {  	_ =	strace s2  }
0x97: {  	_ =	strace $0x8FFFFFFF  }
0x98: {  	s18 =	sld [smem:$0x3FDB];
	_ =	sdelay $0x1  }
0x99: {  	s19 =	simm.s32 $_scs_section_size  }
0x9a: {  	s4 =	simm.s32 $_size__tile_overlayer_lowered;
	s5 =	simm.s32 $_tile_overlayer_lowered  }
0x9b: {  	s22 =	simm.s32 $0x1BFF;
	s21 =	sshll.u32 s5, $0x1;
	s2 =	sadd.s32 s19, s18  }
0x9c: {  	s6 =	simm.s32 $0x0;
	s20 =	sshll.u32 s4, $0x1;
	s4 =	sadd.s32 s21, s2  }
0x9d: {  	[timem:s6], [sflag:s22] =	dma.local [hbm:s4], s20  }
0x9e: {  	_ =	swait.ge [sflag:s22], s20  }
0x9f: {  	s3 =	ssub.s32 $0x0, s20;
	[sflag:s22] =	ssyncset.done $0x0  }
0xa0: {  	[sflag:s22] =	ssyncadd.s32 s3;
	_ =	sdelay $0x1  }
0xa1: {  	s23 =	simm.s32 $0x1B8B  }
0xa2: {  	_ =	swait.ge [sflag:s23], $0x1  }
0xa3: {  	[sflag:s23] =	ssyncset.done $0x0  }
0xa4: {  	s25 =	simm.s32 $0x1B8E;
	s24 =	sld [smem:$0x3FFE];
	[sflag:s23] =	ssyncadd.s32 $0xFFFFFFFF  }
0xa5: {  	s26 =	simm.s32 $execute0_lowered;
	[smem:$0x3FD2] =	sst s25  }
0xa6: {  	s4 =	sshll.u32 s26, $0x1;
	_ =	strace $0x80000046;
	[dreg:$0x1] =	wrdreg $0xFFFFFFFF  }
0xa7: {  	s28 =	simm.s32 $_size_execute0_lowered;
	s2 =	sadd.s32 s2, s4;
	[dreg:$0x0] =	wrdreg $0x0  }
0xa8: {  	s4 =	sshll.u32 s28, $0x1;
	[dreg:$0x2] =	wrdreg s2  }
0xa9: {  	[dreg:$0x3] =	wrdreg s4  }
0xaa: {  	[dreg:$0x4] =	wrdreg $0xC0  }
0xab: {  	_ =	task [dreg:s6], $0x5FFFF  }
0xac: {  	[dreg:$0x1] =	wrdreg $0xFFFFFFFF  }
0xad: {  	[dreg:$0x0] =	wrdreg $0x60  }
0xae: {  	[dreg:$0x2] =	wrdreg s24  }
0xaf: {  	[dreg:$0x3] =	wrdreg $0x9  }
0xb0: {  	_ =	task.clear_ibuf [dreg:s6], $0x4FFFF;
	_ =	strace $0x90000046  }
0xb1: {  	s29 =	simm.s32 $0x9;
	_ =	strace $0x80000048  }
0xb2: {  	_ =	swait.ge [sflag:s29], $0x1  }
0xb3: {  	[sflag:s29] =	ssyncadd.s32 $0xFFFFFFFF  }
0xb4: {  	_ =	strace $0x90000048  }
0xb5: {  	_ =	sfence  }
0xb6: {  	s30 =	sld [smem:$0x0];
	_ =	sdelay $0x2  }
0xb7: {  	s31 =	sshll.u32 s1, $0xD;
	s1 =	sshrl.u32 s1, $0x2  }
0xb8: {  	s3 =	sand.u32 $0x4000, s31;
	s1 =	sadd.s32 s1, s30  }
0xb9: {  	s0 =	sor.u32 s3, s0;
	s1 =	sshll.u32 s1, $0x11  }
0xba: {  	s0 =	sor.u32 s1, s0  }
0xbb: {  	s0 =	sadd.s32 $0x8F2B, s0  }
0xbc: {  	[sflag:s0] =	ssyncadd.remote.s32 $0x1  }
0xbd: {  	_ =	sfence.sel $0xFFFF  }
0xbe: {  	[dreg:$0x0] =	wrdreg $0xFFFFFFFF;
	(pc) =	sbr.abs _section_cstart, $3  }
0xbf: {  	[dreg:$0x1] =	wrdreg $0xFFFFFFFF  }
0xc0: {  	_ =	task.clear_ibuf [dreg:s6], $0x2FFFF;
	_ =	strace $0x9FFFFFFF  }
0xc1: {  	(tm) =	ssettm $0x7FFFFFFF  }
tec
execute0_lowered:
.L_overlay_start_1:
0x0: {  	(tag) =	ssettag $0x1  }
0x1: {  	s2 =	rddreg [dreg:$0x0]  }
0x2: {  	s0 =	rddreg [dreg:$0x1]  }
0x3: {  	s1 =	simm.s32 $0x0;
	s3 =	srdreg.scid;
	s9 =	simm.s32 $0x68  }
0x4: {  	s10 =	simm.s32 $0x1900;
	s11 =	simm.s32 $0x60;
	s12 =	simm.s32 $0x3300  }
0x5: {  	s13 =	simm.s32 $0xC8;
	s14 =	simm.s32 $0x4B00;
	s15 =	simm.s32 $0x130  }
0x6: {  	s16 =	simm.s32 $0x6500;
	s17 =	simm.s32 $0x1;
	s18 =	simm.s32 $0x2  }
0x7: {  	s19 =	simm.s32 $0x7D00;
	s20 =	simm.s32 $0x0;
	[smem:$0x7FF] =	sst s1  }
.Ltmp0:
0x8: {  	s6 =	sand.u32 $0x1, s3;
	s3 =	sadd.s32 $0xE00, s2;
	(pc) =	sbr.rel .LBB2_1-.Ltmp0, $4  }
0x9: {  	s4 =	sadd.s32 $0xF43200, s2;
	s5 =	sadd.s32 $0x64E00, s2;
	s7 =	ssub.s32 $0x2, s6  }
0xa: {  	s2 =	stileid.u32;
	_ =	strace $0x80000047;
	s8 =	sshrl.u32 s7, $0x1  }
0xb: {  	s31 =	sshll.u32 s2, $0xA;
	s6 =	sshll.u32 s6, $0x9;
	s7 =	ssub.s32 s7, s8  }
0xc: {  	s6 =	sor.u32 s6, s31;
	s8 =	simm.s32 $0x3;
	s7 =	smax.u32 s7, $0x1  }
.LBB2_10:
0xd: {  	s20 =	sadd.s32 $0x1, s20  }
0xe: {  	p0 =	sne.s32 s20, s7  }
.Ltmp1:
0xf: {  	_ = 	snop;
	(pc) =	sbr.rel @!p0 .LBB2_11-.Ltmp1, $1  }
0x10: {  	_ =	sdelay $0x3  }
.LBB2_1:
.Ltmp2:
0x11: {  	(pc) =	sbr.rel .LBB2_2-.Ltmp2, $2  }
0x12: {  	_ =	sdelay $0x2  }
0x13: {  	s21 =	simm.s32 $0x0  }
.LBB2_9:
0x14: {  	s21 =	sadd.s32 $0x1, s21  }
0x15: {  	s22 =	sshll.u32 s22, $0x3;
	p0 =	sne.s32 s21, $0x10  }
.Ltmp3:
0x16: {  	s22 =	sadd.s32 s5, s22;
	(pc) =	sbr.rel @!p0 .LBB2_10-.Ltmp3, $4  }
0x17: {  	[hbm4b:s22+s1] =	stream.linear.scatter [tilespmem:s19], [sflag:$0x3], $0x800, $0x38;
	[tilespmem:$0x8500] =	vst v63  }
0x18: {  	_ =	swait.ge [sflag:s8], $0x800  }
0x19: {  	[sflag:s8] =	ssyncset.done $0x0  }
0x1a: {  	[sflag:s8] =	ssyncadd.s32 $0xFFFFF800  }
.LBB2_2:
0x1b: {  	s22 =	sshll.u32 s21, $0x5  }
0x1c: {  	s22 =	sadd.s32 s6, s22  }
0x1d: {  	s23 =	smul.u32 $0x19, s22;
	_ =	sdelay $0x1  }
0x1e: {  	s24 =	sadd.s32 s3, s23;
	s23 =	simm.s32 $0x0  }
0x1f: {  	[tilespmem:s23], [sflag:$0x3] =	stream.linear.gather [hbm4b:s24+s23], $0x1900, $0x38;
	[tilespmem:$0x8500] =	vst v63  }
0x20: {  	_ =	swait.ge [sflag:s8], $0x1900  }
0x21: {  	[sflag:s8] =	ssyncset.done $0x0  }
0x22: {  	[sflag:s8] =	ssyncadd.s32 $0xFFFFE700  }
0x23: {  	[tilespmem:s10], [sflag:$0x1] =	stream.indirect.gather [hbm4b:s4+s9], $0x40, s23, s9, $0xb8;
	[tilespmem:$0x8500] =	vst v63  }
0x24: {  	_ = 	snop  }
0x25: {  	[tilespmem:s12], [sflag:$0x1] =	stream.indirect.gather [hbm4b:s4+s11], $0x40, s9, s11, $0xb8;
	[tilespmem:$0x8500] =	vst v63  }
0x26: {  	_ = 	snop  }
0x27: {  	[tilespmem:s14], [sflag:$0x2] =	stream.indirect.gather [hbm4b:s4+s9], $0x40, s13, s9, $0xb8;
	[tilespmem:$0x8500] =	vst v63  }
0x28: {  	_ = 	snop  }
0x29: {  	[tilespmem:s16], [sflag:$0x2] =	stream.indirect.gather [hbm4b:s4+s11], $0x40, s15, s11, $0xb8;
	[tilespmem:$0x8500] =	vst v63  }
.LBB2_3:
0x2a: {  	_ =	swait.ge [sflag:s17], $0x3200  }
0x2b: {  	[sflag:s17] =	ssyncset.done $0x0  }
0x2c: {  	s24 =	simm.s32 $0x0;
	[sflag:s17] =	ssyncadd.s32 $0xFFFFCE00  }
0x2d: {  	v0 =	vld [tilespmem:s24+$0x1AC0]  }
0x2e: {  	v1 =	vld [tilespmem:s24+$0x1AD0]  }
0x2f: {  	v2 =	vld [tilespmem:s24+$0x1A80]  }
0x30: {  	v3 =	vld [tilespmem:s24+$0x1A90]  }
0x31: {  	v4 =	vld [tilespmem:s24+$0x1A40]  }
0x32: {  	v5 =	vld [tilespmem:s24+$0x1A50]  }
0x33: {  	v6 =	vld [tilespmem:s24+$0x1A00]  }
0x34: {  	v7 =	vld [tilespmem:s24+$0x1A10]  }
0x35: {  	v9 =	vld [tilespmem:s24+$0x19C0]  }
0x36: {  	v8 =	vld [tilespmem:s24+$0x19D0]  }
0x37: {  	v11 =	vld [tilespmem:s24+$0x1980]  }
0x38: {  	v10 =	vld [tilespmem:s24+$0x1990]  }
0x39: {  	v17 =	vld [tilespmem:s24+$0x1940]  }
0x3a: {  	v16 =	vld [tilespmem:s24+$0x1950]  }
0x3b: {  	v19 =	vld [tilespmem:s24+$0x1900]  }
0x3c: {  	v12 =	vimm.f32 $0.0e+00;
	v20 =	vld [tilespmem:s24+$0x1910]  }
0x3d: {  	s25 =	simm.s32 $0x800;
	v15 =	vimm.f32 $0.0e+00;
	v14 =	vimm.f32 $0.0e+00;
	v13 =	vimm.f32 $0.0e+00;
	v18 =	vld [tilespmem:s24+$0x1920]  }
.LBB2_4:
0x3e: {  	p0 =	sne.s32 s25, $0xC000;
	v21 =	vld [tilespmem:s24+$0x1930]  }
0x3f: {  	v22 =	vld [tilespmem:s24+$0x1960]  }
0x40: {  	v23 =	vld [tilespmem:s24+$0x1970]  }
0x41: {  	v24 =	vld [tilespmem:s24+$0x19A0]  }
0x42: {  	v12 =	vadd.f32 v19, v12;
	v15 =	vadd.f32 v20, v15;
	v19 =	vld [tilespmem:s24+$0x19B0]  }
0x43: {  	v14 =	vadd.f32 v18, v14;
	v13 =	vadd.f32 v21, v13;
	v18 =	vld [tilespmem:s24+$0x19E0]  }
0x44: {  	v12 =	vadd.f32 v17, v12;
	v15 =	vadd.f32 v16, v15;
	v16 =	vld [tilespmem:s24+$0x19F0]  }
0x45: {  	v14 =	vadd.f32 v22, v14;
	v13 =	vadd.f32 v23, v13;
	v17 =	vld [tilespmem:s24+$0x1A20]  }
0x46: {  	v11 =	vadd.f32 v11, v12;
	v10 =	vadd.f32 v10, v15;
	v12 =	vld [tilespmem:s24+$0x1A30]  }
0x47: {  	v14 =	vadd.f32 v24, v14;
	v13 =	vadd.f32 v19, v13;
	v15 =	vld [tilespmem:s24+$0x1A60]  }
0x48: {  	v9 =	vadd.f32 v9, v11;
	v8 =	vadd.f32 v8, v10;
	v10 =	vld [tilespmem:s24+$0x1A70]  }
0x49: {  	v11 =	vadd.f32 v18, v14;
	v13 =	vadd.f32 v16, v13;
	v14 =	vld [tilespmem:s24+$0x1AA0]  }
0x4a: {  	v6 =	vadd.f32 v6, v9;
	v7 =	vadd.f32 v7, v8;
	v8 =	vld [tilespmem:s24+$0x1AB0]  }
0x4b: {  	v9 =	vadd.f32 v17, v11;
	v11 =	vadd.f32 v12, v13;
	v13 =	vld [tilespmem:s24+$0x1AE0]  }
0x4c: {  	v4 =	vadd.f32 v4, v6;
	v5 =	vadd.f32 v5, v7;
	v6 =	vld [tilespmem:s24+$0x1AF0];
	s24 =	sshra.s32 s25, $0x2  }
0x4d: {  	v9 =	vadd.f32 v15, v9;
	v7 =	vld [tilespmem:s24+$0x1AC0];
	v10 =	vadd.f32 v10, v11  }
0x4e: {  	v4 =	vadd.f32 v2, v4;
	v5 =	vadd.f32 v3, v5;
	v11 =	vld [tilespmem:s24+$0x1AD0]  }
0x4f: {  	v9 =	vadd.f32 v14, v9;
	v2 =	vld [tilespmem:s24+$0x1A80];
	v8 =	vadd.f32 v8, v10  }
0x50: {  	v12 =	vadd.f32 v0, v4;
	v15 =	vadd.f32 v1, v5;
	v3 =	vld [tilespmem:s24+$0x1A90]  }
0x51: {  	v14 =	vadd.f32 v13, v9;
	v4 =	vld [tilespmem:s24+$0x1A40];
	v13 =	vadd.f32 v6, v8  }
0x52: {  	v5 =	vld [tilespmem:s24+$0x1A50];
	v0 =	vmov v7  }
0x53: {  	v6 =	vld [tilespmem:s24+$0x1A00];
	v1 =	vmov v11  }
0x54: {  	v7 =	vld [tilespmem:s24+$0x1A10]  }
0x55: {  	v9 =	vld [tilespmem:s24+$0x19C0]  }
0x56: {  	v8 =	vld [tilespmem:s24+$0x19D0]  }
0x57: {  	v11 =	vld [tilespmem:s24+$0x1980]  }
0x58: {  	v10 =	vld [tilespmem:s24+$0x1990]  }
.Ltmp4:
0x59: {  	v17 =	vld [tilespmem:s24+$0x1940];
	(pc) =	sbr.rel @p0 .LBB2_4-.Ltmp4, $4  }
0x5a: {  	v16 =	vld [tilespmem:s24+$0x1950]  }
0x5b: {  	v19 =	vld [tilespmem:s24+$0x1900]  }
0x5c: {  	v20 =	vld [tilespmem:s24+$0x1910]  }
0x5d: {  	s25 =	sadd.s32 $0x800, s25;
	v18 =	vld [tilespmem:s24+$0x1920]  }
0x5e: {  	v21 =	vld [tilespmem:s24+$0x1930]  }
0x5f: {  	v22 =	vld [tilespmem:s24+$0x1960]  }
0x60: {  	v23 =	vld [tilespmem:s24+$0x1970];
	v12 =	vadd.f32 v19, v12  }
0x61: {  	v19 =	vld [tilespmem:s24+$0x19A0];
	v15 =	vadd.f32 v20, v15  }
0x62: {  	v20 =	vld [tilespmem:s24+$0x19B0];
	v14 =	vadd.f32 v18, v14;
	v12 =	vadd.f32 v17, v12  }
0x63: {  	v17 =	vld [tilespmem:s24+$0x19E0];
	v13 =	vadd.f32 v21, v13;
	v15 =	vadd.f32 v16, v15  }
0x64: {  	v16 =	vld [tilespmem:s24+$0x19F0];
	v14 =	vadd.f32 v22, v14;
	v11 =	vadd.f32 v11, v12  }
0x65: {  	v12 =	vadd.f32 v23, v13;
	v13 =	vld [tilespmem:s24+$0x1A20];
	v10 =	vadd.f32 v10, v15  }
0x66: {  	v15 =	vld [tilespmem:s24+$0x1A30];
	v14 =	vadd.f32 v19, v14;
	v9 =	vadd.f32 v9, v11  }
0x67: {  	v11 =	vadd.f32 v20, v12;
	v12 =	vld [tilespmem:s24+$0x1A60];
	v8 =	vadd.f32 v8, v10  }
0x68: {  	v10 =	vld [tilespmem:s24+$0x1A70];
	v14 =	vadd.f32 v17, v14;
	v6 =	vadd.f32 v6, v9  }
0x69: {  	v9 =	vadd.f32 v16, v11;
	v11 =	vld [tilespmem:s24+$0x1AA0];
	v7 =	vadd.f32 v7, v8  }
0x6a: {  	v8 =	vld [tilespmem:s24+$0x1AB0];
	v13 =	vadd.f32 v13, v14;
	v4 =	vadd.f32 v4, v6  }
0x6b: {  	v6 =	vadd.f32 v15, v9;
	v9 =	vld [tilespmem:s24+$0x1AE0];
	v5 =	vadd.f32 v5, v7  }
0x6c: {  	v7 =	vld [tilespmem:s24+$0x1AF0];
	v12 =	vadd.f32 v12, v13;
	v2 =	vadd.f32 v2, v4  }
0x6d: {  	v4 =	vadd.f32 v10, v6;
	v3 =	vadd.f32 v3, v5  }
0x6e: {  	s31 =	sshll.u32 s23, $0x7;
	v5 =	vadd.f32 v11, v12;
	v0 =	vadd.f32 v0, v2  }
0x6f: {  	p0 =	seq.s32 s23, $0xF;
	s24 =	sand.u32 $0x3FFFFF80, s31;
	v2 =	vadd.f32 v8, v4;
	v1 =	vadd.f32 v1, v3  }
0x70: {  	s25 =	smul.u32 @!p0 $0x640, s23;
	v3 =	vadd.f32 v9, v5;
	[tilespmem:s24+$0x7D00] =	vst v0  }
0x71: {  	v0 =	vadd.f32 v7, v2;
	[tilespmem:s24+$0x7D10] =	vst v1  }
0x72: {  	s25 =	sshra.s32 @!p0 s25, $0x2;
	[tilespmem:s24+$0x7D20] =	vst v3  }
0x73: {  	s28 =	simm.s32 @!p0 $0x68;
	s29 =	simm.s32 @!p0 $0x1900;
	s26 =	sadd.s32 @!p0 $0x190, s25;
	[tilespmem:s24+$0x7D30] =	vst v0  }
0x74: {  	[tilespmem:s29], [sflag:$0x1] =	stream.indirect.gather @!p0 [hbm4b:s4+s28], $0x40, s26, s28, $0xb8;
	[tilespmem:$0x8500] =	vst v63  }
0x75: {  	s25 =	sadd.s32 @!p0 $0x1F8, s25;
	s26 =	simm.s32 @!p0 $0x60;
	s28 =	simm.s32 @!p0 $0x3300  }
0x76: {  	[tilespmem:s28], [sflag:$0x1] =	stream.indirect.gather @!p0 [hbm4b:s4+s26], $0x40, s25, s26, $0xb8;
	[tilespmem:$0x8500] =	vst v63  }
0x77: {  	_ =	swait.ge [sflag:s18], $0x3200  }
0x78: {  	[sflag:s18] =	ssyncset.done $0x0  }
0x79: {  	s25 =	simm.s32 $0x0;
	[sflag:s18] =	ssyncadd.s32 $0xFFFFCE00  }
0x7a: {  	v0 =	vld [tilespmem:s25+$0x4CC0]  }
0x7b: {  	v1 =	vld [tilespmem:s25+$0x4CD0]  }
0x7c: {  	v2 =	vld [tilespmem:s25+$0x4C80]  }
0x7d: {  	v3 =	vld [tilespmem:s25+$0x4C90]  }
0x7e: {  	v4 =	vld [tilespmem:s25+$0x4C40]  }
0x7f: {  	v5 =	vld [tilespmem:s25+$0x4C50]  }
0x80: {  	v6 =	vld [tilespmem:s25+$0x4C00]  }
0x81: {  	v7 =	vld [tilespmem:s25+$0x4C10]  }
0x82: {  	v9 =	vld [tilespmem:s25+$0x4BC0]  }
0x83: {  	v8 =	vld [tilespmem:s25+$0x4BD0]  }
0x84: {  	v11 =	vld [tilespmem:s25+$0x4B80]  }
0x85: {  	v10 =	vld [tilespmem:s25+$0x4B90]  }
0x86: {  	v17 =	vld [tilespmem:s25+$0x4B40]  }
0x87: {  	v16 =	vld [tilespmem:s25+$0x4B50]  }
0x88: {  	v19 =	vld [tilespmem:s25+$0x4B00]  }
0x89: {  	v14 =	vimm.f32 $0.0e+00;
	v20 =	vld [tilespmem:s25+$0x4B10]  }
0x8a: {  	v15 =	vimm.f32 $0.0e+00;
	v13 =	vimm.f32 $0.0e+00;
	v12 =	vimm.f32 $0.0e+00;
	s26 =	simm.s32 $0x800;
	v18 =	vld [tilespmem:s25+$0x4B20]  }
.LBB2_6:
0x8b: {  	p1 =	sne.s32 s26, $0xC000;
	v21 =	vld [tilespmem:s25+$0x4B30]  }
0x8c: {  	v22 =	vld [tilespmem:s25+$0x4B60]  }
0x8d: {  	v23 =	vld [tilespmem:s25+$0x4B70]  }
0x8e: {  	v24 =	vld [tilespmem:s25+$0x4BA0]  }
0x8f: {  	v12 =	vadd.f32 v19, v12;
	v15 =	vadd.f32 v20, v15;
	v19 =	vld [tilespmem:s25+$0x4BB0]  }
0x90: {  	v14 =	vadd.f32 v18, v14;
	v13 =	vadd.f32 v21, v13;
	v18 =	vld [tilespmem:s25+$0x4BE0]  }
0x91: {  	v12 =	vadd.f32 v17, v12;
	v15 =	vadd.f32 v16, v15;
	v16 =	vld [tilespmem:s25+$0x4BF0]  }
0x92: {  	v14 =	vadd.f32 v22, v14;
	v13 =	vadd.f32 v23, v13;
	v17 =	vld [tilespmem:s25+$0x4C20]  }
0x93: {  	v11 =	vadd.f32 v11, v12;
	v10 =	vadd.f32 v10, v15;
	v12 =	vld [tilespmem:s25+$0x4C30]  }
0x94: {  	v14 =	vadd.f32 v24, v14;
	v13 =	vadd.f32 v19, v13;
	v15 =	vld [tilespmem:s25+$0x4C60]  }
0x95: {  	v9 =	vadd.f32 v9, v11;
	v8 =	vadd.f32 v8, v10;
	v10 =	vld [tilespmem:s25+$0x4C70]  }
0x96: {  	v11 =	vadd.f32 v18, v14;
	v13 =	vadd.f32 v16, v13;
	v14 =	vld [tilespmem:s25+$0x4CA0]  }
0x97: {  	v6 =	vadd.f32 v6, v9;
	v7 =	vadd.f32 v7, v8;
	v8 =	vld [tilespmem:s25+$0x4CB0]  }
0x98: {  	v9 =	vadd.f32 v17, v11;
	v11 =	vadd.f32 v12, v13;
	v13 =	vld [tilespmem:s25+$0x4CE0]  }
0x99: {  	v4 =	vadd.f32 v4, v6;
	v5 =	vadd.f32 v5, v7;
	v6 =	vld [tilespmem:s25+$0x4CF0];
	s25 =	sshra.s32 s26, $0x2  }
0x9a: {  	v9 =	vadd.f32 v15, v9;
	v7 =	vld [tilespmem:s25+$0x4CC0];
	v10 =	vadd.f32 v10, v11  }
0x9b: {  	v4 =	vadd.f32 v2, v4;
	v5 =	vadd.f32 v3, v5;
	v11 =	vld [tilespmem:s25+$0x4CD0]  }
0x9c: {  	v9 =	vadd.f32 v14, v9;
	v2 =	vld [tilespmem:s25+$0x4C80];
	v8 =	vadd.f32 v8, v10  }
0x9d: {  	v12 =	vadd.f32 v0, v4;
	v15 =	vadd.f32 v1, v5;
	v3 =	vld [tilespmem:s25+$0x4C90]  }
0x9e: {  	v14 =	vadd.f32 v13, v9;
	v4 =	vld [tilespmem:s25+$0x4C40];
	v13 =	vadd.f32 v6, v8  }
0x9f: {  	v5 =	vld [tilespmem:s25+$0x4C50];
	v0 =	vmov v7  }
0xa0: {  	v6 =	vld [tilespmem:s25+$0x4C00];
	v1 =	vmov v11  }
0xa1: {  	v7 =	vld [tilespmem:s25+$0x4C10]  }
0xa2: {  	v9 =	vld [tilespmem:s25+$0x4BC0]  }
0xa3: {  	v8 =	vld [tilespmem:s25+$0x4BD0]  }
0xa4: {  	v11 =	vld [tilespmem:s25+$0x4B80]  }
0xa5: {  	v10 =	vld [tilespmem:s25+$0x4B90]  }
.Ltmp5:
0xa6: {  	v17 =	vld [tilespmem:s25+$0x4B40];
	(pc) =	sbr.rel @p1 .LBB2_6-.Ltmp5, $4  }
0xa7: {  	v16 =	vld [tilespmem:s25+$0x4B50]  }
0xa8: {  	v19 =	vld [tilespmem:s25+$0x4B00]  }
0xa9: {  	v20 =	vld [tilespmem:s25+$0x4B10]  }
0xaa: {  	s26 =	sadd.s32 $0x800, s26;
	v18 =	vld [tilespmem:s25+$0x4B20]  }
0xab: {  	v21 =	vld [tilespmem:s25+$0x4B30]  }
0xac: {  	v22 =	vld [tilespmem:s25+$0x4B60]  }
0xad: {  	v23 =	vld [tilespmem:s25+$0x4B70];
	v12 =	vadd.f32 v19, v12  }
0xae: {  	v43 =	vld [tilespmem:s25+$0x4BA0];
	v15 =	vadd.f32 v20, v15  }
0xaf: {  	v44 =	vld [tilespmem:s25+$0x4BB0];
	v14 =	vadd.f32 v18, v14;
	v12 =	vadd.f32 v17, v12  }
0xb0: {  	v45 =	vld [tilespmem:s25+$0x4BE0];
	v13 =	vadd.f32 v21, v13;
	v15 =	vadd.f32 v16, v15  }
0xb1: {  	v46 =	vld [tilespmem:s25+$0x4BF0];
	v14 =	vadd.f32 v22, v14;
	v11 =	vadd.f32 v11, v12  }
0xb2: {  	v48 =	vld [tilespmem:s25+$0x4C20];
	v47 =	vadd.f32 v23, v13;
	v10 =	vadd.f32 v10, v15  }
0xb3: {  	v49 =	vld [tilespmem:s25+$0x4C30];
	v14 =	vadd.f32 v43, v14;
	v9 =	vadd.f32 v9, v11  }
0xb4: {  	v51 =	vld [tilespmem:s25+$0x4C60];
	v50 =	vadd.f32 v44, v47;
	v8 =	vadd.f32 v8, v10  }
0xb5: {  	v52 =	vld [tilespmem:s25+$0x4C70];
	v14 =	vadd.f32 v45, v14;
	v6 =	vadd.f32 v6, v9  }
0xb6: {  	v54 =	vld [tilespmem:s25+$0x4CA0];
	v53 =	vadd.f32 v46, v50;
	v7 =	vadd.f32 v7, v8  }
0xb7: {  	v55 =	vld [tilespmem:s25+$0x4CB0];
	v13 =	vadd.f32 v48, v14;
	v4 =	vadd.f32 v4, v6  }
0xb8: {  	v57 =	vld [tilespmem:s25+$0x4CE0];
	v56 =	vadd.f32 v49, v53;
	v5 =	vadd.f32 v5, v7  }
0xb9: {  	v58 =	vld [tilespmem:s25+$0x4CF0];
	v12 =	vadd.f32 v51, v13;
	v2 =	vadd.f32 v2, v4  }
0xba: {  	v59 =	vadd.f32 v52, v56;
	v3 =	vadd.f32 v3, v5  }
0xbb: {  	v60 =	vadd.f32 v54, v12;
	v0 =	vadd.f32 v0, v2  }
.Ltmp6:
0xbc: {  	v61 =	vadd.f32 v55, v59;
	v1 =	vadd.f32 v1, v3;
	(pc) =	sbr.rel @p0 .LBB2_9-.Ltmp6, $4  }
0xbd: {  	v62 =	vadd.f32 v57, v60;
	[tilespmem:s24+$0x7D40] =	vst v0  }
0xbe: {  	v63 =	vadd.f32 v58, v61;
	[tilespmem:s24+$0x7D50] =	vst v1  }
0xbf: {  	[tilespmem:s24+$0x7D60] =	vst v62  }
0xc0: {  	[tilespmem:s24+$0x7D70] =	vst v63  }
0xc1: {  	s24 =	smul.u32 $0x640, s23;
	_ =	sdelay $0x1  }
.Ltmp7:
0xc2: {  	s24 =	sshra.s32 s24, $0x2;
	(pc) =	sbr.rel .LBB2_3-.Ltmp7, $4  }
0xc3: {  	s25 =	sadd.s32 $0x258, s24  }
0xc4: {  	[tilespmem:s14], [sflag:$0x2] =	stream.indirect.gather [hbm4b:s4+s9], $0x40, s25, s9, $0xb8;
	[tilespmem:$0x8500] =	vst v63  }
0xc5: {  	s23 =	sadd.s32 $0x1, s23;
	s24 =	sadd.s32 $0x2C0, s24  }
0xc6: {  	[tilespmem:s16], [sflag:$0x2] =	stream.indirect.gather [hbm4b:s4+s11], $0x40, s24, s11, $0xb8;
	[tilespmem:$0x8500] =	vst v63  }
.LBB2_11:
0xc7: {  	_ =	sfence.sel $0x180000  }
0xc8: {  	[bflag:$0x0] =	sbarrier.arrive $0xFFFF  }
0xc9: {  	p0 =	sne.s32 s2, $0x0;
	_ =	strace $0x90000047  }
0xca: {  	s0 =	sadd.s32 @!p0 $0x100000, s0;
	[bflag:$0x2] =	sbarrier.arrive $0xFFFF  }
0xcb: {  	[sflag:s0] =	ssyncadd.tile.s32 @!p0 $0x1;
	_ =	shalt  }
.Lfunc_end2:
_tile_overlayer_lowered:
.L_overlay_start_2:
0xcc: {  	(tag) =	ssettag $0x2  }
0xcd: {  	s0 =	rddreg [dreg:$0x0];
	s2 =	stileid.u32  }
0xce: {  	s1 =	rddreg [dreg:$0x1];
	p0 =	sne.s32 s2, $0x0  }
0xcf: {  	s3 =	rddreg [dreg:$0x2];
	[bflag:$0x3] =	sbarrier.arrive $0xFFFF;
	s2 =	simm.s32 @!p0 $0x1C03  }
0xd0: {  	[timem:s3], [sflag:s2] =	dma.local @!p0 [hbm:s0], s1  }
0xd1: {  	s0 =	simm.s32 @!p0 $0x3  }
0xd2: {  	_ =	swait.ge @!p0 [sflag:s0], s1  }
0xd3: {  	s1 =	ssub.s32 @!p0 $0x0, s1;
	[sflag:s0] =	ssyncset.done @!p0 $0x0  }
0xd4: {  	[sflag:s0] =	ssyncadd.s32 @!p0 s1  }
0xd5: {  	[bflag:$0x3] =	sbarrier.arrive $0xFFFF  }
0xd6: {  	_ =	shalt  }

</sc_bundles>
